<compile_context>
chip_gen: v7x
topology: tpu7x:2x2x1
jax: 0.10.2.dev20260603
libtpu: 0.0.44.dev20260713+nightly
codegen_flags: <defaults>
</compile_context>

<pallas_src>
import functools

import jax
import jax.numpy as jnp
from jax import lax
from jax.experimental import pallas as pl
from jax.experimental.pallas import tpu as pltpu
from jax.experimental.pallas import tpu_sc as plsc

_L = 16
_NC = 2
_NS = 16
_NW = _NC * _NS
_CHUNK = 128


@functools.lru_cache(maxsize=None)
def _build(n):
    h = n // 2
    per_w = -(-n // (_NW * _CHUNK)) * _CHUNK
    half_w = per_w // 2
    n_chunks = per_w // _CHUNK
    assert n >= per_w and (h - half_w) % 8 == 0
    mesh = plsc.VectorSubcoreMesh(core_axis_name="c", subcore_axis_name="s")

    @functools.partial(
        pl.kernel,
        mesh=mesh,
        out_type=(jax.ShapeDtypeStruct((h,), jnp.float32),
                  jax.ShapeDtypeStruct((h,), jnp.float32)),
        scratch_types=[
            pltpu.VMEM((n_chunks, _CHUNK), jnp.int32),
            pltpu.VMEM((per_w,), jnp.float32),
            pltpu.VMEM((half_w,), jnp.float32),
            pltpu.VMEM((half_w,), jnp.float32),
        ] + [pltpu.SemaphoreType.DMA] * (2 * n_chunks + 1),
        compiler_params=pltpu.CompilerParams(needs_layout_passes=False),
    )
    def gather_kernel(xflat, lin_hbm, outb_hbm, outd_hbm,
                      lin_v, vals_v, b_v, d_v, *sems):
        wid = lax.axis_index("s") * _NC + lax.axis_index("c")
        base = pl.multiple_of(jnp.minimum(wid * half_w, h - half_w), 8)
        lane2 = lax.iota(jnp.int32, _L) * 2
        gpc = _CHUNK // (2 * _L)

        def deinterleave(j):
            for i in range(gpc):
                g = j * gpc + i
                e = lane2 + 2 * _L * g
                b_v[pl.ds(g * _L, _L)] = plsc.load_gather(vals_v, [e])
                d_v[pl.ds(g * _L, _L)] = plsc.load_gather(vals_v, [e + 1])

        loads = [
            pltpu.async_copy(
                lin_hbm.at[pl.ds(2 * base + j * _CHUNK, _CHUNK)],
                lin_v.at[j], sems[j])
            for j in range(n_chunks)
        ]
        gathers = []
        for j in range(n_chunks):
            loads[j].wait()
            gathers.append(
                pltpu.async_copy(xflat.at[lin_v.at[j]],
                                 vals_v.at[pl.ds(j * _CHUNK, _CHUNK)],
                                 sems[n_chunks + j]))
        for j in range(n_chunks):
            gathers[j].wait()
            deinterleave(j)
        ob = pltpu.async_copy(b_v, outb_hbm.at[pl.ds(base, half_w)],
                              sems[2 * n_chunks])
        od = pltpu.async_copy(d_v, outd_hbm.at[pl.ds(base, half_w)],
                              sems[2 * n_chunks])
        ob.wait()
        od.wait()

    return gather_kernel


def kernel(X, indices):
    n = indices.shape[0]
    h = n // 2
    nr, nc = X.shape
    r, c = indices[:, 0], indices[:, 1]
    if nr % 8 == 0 and nc % 128 == 0:
        lin = (((r >> 3) * (nc // 128) + (c >> 7)) << 10) + \
              ((r & 7) << 7) + (c & 127)
        xflat = X.reshape(nr // 8, 8, nc // 128, 128)
        xflat = xflat.transpose(0, 2, 1, 3).reshape(-1)
    else:
        lin = r * nc + c
        xflat = X.reshape(-1)
    births, deaths = _build(n)(xflat, lin)
    return jnp.stack([births, deaths], axis=1)

# --- scband reference (transcript-rebuilt; emitter-appended) ---
"""Pipeline reference for scband-cubical-layer-25769803776474 (READ-ONLY COPY).

The authoritative reference and input builder live on the scoring server;
editing this copy changes nothing except your own understanding.
"""

import jax, jax.numpy as jnp
import numpy as np

# CubicalLayer: the GUDHI cubical persistence computation (_Cubical) is an external,
# non-differentiable CPU routine whose output indices are wrapped in stop_gradient.
# The differentiable (and SparseCore-relevant) part of the layer is the gather_nd of
# pixel values of X at the persistence-pair coordinates, reshaped to [num_pairs, 2].
# We therefore materialize the pair coordinates as a precomputed int index tensor
# in setup_inputs (as the original layer treats them: constants w.r.t. X).

def setup_inputs(seed: int = 0):
    key = jax.random.key(seed)
    k1, k2 = jax.random.split(key)
    X = jax.random.normal(k1, (512, 512), dtype=jnp.float32)
    # 20000 persistence pairs -> 40000 (birth/death) coordinates, each a 2D index into X
    indices = jax.random.randint(k2, (40000, 2), 0, 512, dtype=jnp.int32)
    return {"X": X, "indices": indices}

def reference(X, indices):
    # tf.gather_nd(X, indices) with indices of shape [N, ndim(X)]
    vals = X[indices[:, 0], indices[:, 1]]
    # tf.reshape(..., [-1, 2]) -> persistence diagram [num_pairs, 2]
    dgm = jnp.reshape(vals, (-1, 2))
    return dgm

if __name__ == "__main__":
    import jax
    _d = setup_inputs()
    print(jax.jit(kernel)(*tuple(_d.values())))

</pallas_src>

<mosaic_0001>
#map = affine_map<(d0, d1) -> (0)>
module attributes {stable_mosaic.version = 14 : i64} {
  func.func @gather_kernel(%arg0: i32, %arg1: i32, %arg2: memref<262144xf32, #tpu.memory_space<hbm>>, %arg3: memref<40000xi32, #tpu.memory_space<hbm>>, %arg4: memref<20000xf32, #tpu.memory_space<hbm>>, %arg5: memref<20000xf32, #tpu.memory_space<hbm>>, %arg6: memref<10x128xi32, #tpu.memory_space<vmem>>, %arg7: memref<1280xf32, #tpu.memory_space<vmem>>, %arg8: memref<640xf32, #tpu.memory_space<vmem>>, %arg9: memref<640xf32, #tpu.memory_space<vmem>>, %arg10: memref<!tpu.dma_semaphore, #tpu.memory_space<semaphore_mem>>, %arg11: memref<!tpu.dma_semaphore, #tpu.memory_space<semaphore_mem>>, %arg12: memref<!tpu.dma_semaphore, #tpu.memory_space<semaphore_mem>>, %arg13: memref<!tpu.dma_semaphore, #tpu.memory_space<semaphore_mem>>, %arg14: memref<!tpu.dma_semaphore, #tpu.memory_space<semaphore_mem>>, %arg15: memref<!tpu.dma_semaphore, #tpu.memory_space<semaphore_mem>>, %arg16: memref<!tpu.dma_semaphore, #tpu.memory_space<semaphore_mem>>, %arg17: memref<!tpu.dma_semaphore, #tpu.memory_space<semaphore_mem>>, %arg18: memref<!tpu.dma_semaphore, #tpu.memory_space<semaphore_mem>>, %arg19: memref<!tpu.dma_semaphore, #tpu.memory_space<semaphore_mem>>, %arg20: memref<!tpu.dma_semaphore, #tpu.memory_space<semaphore_mem>>, %arg21: memref<!tpu.dma_semaphore, #tpu.memory_space<semaphore_mem>>, %arg22: memref<!tpu.dma_semaphore, #tpu.memory_space<semaphore_mem>>, %arg23: memref<!tpu.dma_semaphore, #tpu.memory_space<semaphore_mem>>, %arg24: memref<!tpu.dma_semaphore, #tpu.memory_space<semaphore_mem>>, %arg25: memref<!tpu.dma_semaphore, #tpu.memory_space<semaphore_mem>>, %arg26: memref<!tpu.dma_semaphore, #tpu.memory_space<semaphore_mem>>, %arg27: memref<!tpu.dma_semaphore, #tpu.memory_space<semaphore_mem>>, %arg28: memref<!tpu.dma_semaphore, #tpu.memory_space<semaphore_mem>>, %arg29: memref<!tpu.dma_semaphore, #tpu.memory_space<semaphore_mem>>, %arg30: memref<!tpu.dma_semaphore, #tpu.memory_space<semaphore_mem>>) attributes {dimension_semantics = [#tpu.dimension_semantics<core_parallel>, #tpu.dimension_semantics<subcore_parallel>], iteration_bounds = array<i64: 2, 16>, scalar_prefetch = 0 : i64, scratch_operands = 25 : i64, tpu.core_type = #tpu.core_type<sc_vector_subcore>, window_params = [{transform_indices = #map}, {transform_indices = #map}, {transform_indices = #map}, {transform_indices = #map}]} {
    %mul3A = arith.constant 2 : i32
    %mul3A_0 = arith.muli %arg1, %mul3A : i32
    %add3A = arith.addi %mul3A_0, %arg0 : i32
    %mul3A_1 = arith.constant 640 : i32
    %mul3A_2 = arith.muli %add3A, %mul3A_1 : i32
    %min3A = arith.constant 19360 : i32
    %min3A_3 = arith.minsi %mul3A_2, %min3A : i32
    %multiple_of3A = tpu.assume_multiple %min3A_3, 8 : i32
    %iota3A = tpu.iota {dimensions = array<i32: 0>} : vector<16xi32>
    %mul3A_4 = arith.constant 2 : i32
    %mul3A_5 = vector.broadcast %mul3A_4 : i32 to vector<16xi32>
    %mul3A_6 = arith.muli %iota3A, %mul3A_5 : vector<16xi32>
    %mul3A_7 = arith.constant 2 : i32
    %mul3A_8 = arith.muli %mul3A_7, %multiple_of3A : i32
    %add3A_9 = arith.constant 0 : i32
    %add3A_10 = arith.addi %mul3A_8, %add3A_9 : i32
    %dma_start3A = arith.constant 0 : i32
    %dma_start3A_11 = arith.constant 0 : i32
    %dma_start3A_12 = tpu.memref_slice %arg6[%dma_start3A, %dma_start3A_11] : memref<10x128xi32, #tpu.memory_space<vmem>> -> memref<1x128xi32, #tpu.memory_space<vmem>>
    %dma_start3A_13 = tpu.memref_squeeze %dma_start3A_12 : memref<1x128xi32, #tpu.memory_space<vmem>> -> memref<128xi32, #tpu.memory_space<vmem>>
    %dma_start3A_14 = tpu.memref_slice %arg3[%add3A_10] : memref<40000xi32, #tpu.memory_space<hbm>> -> memref<128xi32, #tpu.memory_space<hbm>>
    %dma_start3A_15 = arith.constant 0 : i32
    %dma_start3A_16 = tpu.memref_slice %arg6[%dma_start3A, %dma_start3A_15] : memref<10x128xi32, #tpu.memory_space<vmem>> -> memref<1x128xi32, #tpu.memory_space<vmem>>
    %dma_start3A_17 = tpu.memref_squeeze %dma_start3A_16 : memref<1x128xi32, #tpu.memory_space<vmem>> -> memref<128xi32, #tpu.memory_space<vmem>>
    %dma_start3A_18 = tpu.memref_slice %arg3[%add3A_10] : memref<40000xi32, #tpu.memory_space<hbm>> -> memref<128xi32, #tpu.memory_space<hbm>>
    tpu.enqueue_dma source(%dma_start3A_18 : memref<128xi32, #tpu.memory_space<hbm>>) target(%dma_start3A_17 : memref<128xi32, #tpu.memory_space<vmem>>) target_semaphore(%arg10 : memref<!tpu.dma_semaphore, #tpu.memory_space<semaphore_mem>>)
    %mul3A_19 = arith.constant 2 : i32
    %mul3A_20 = arith.muli %mul3A_19, %multiple_of3A : i32
    %add3A_21 = arith.constant 128 : i32
    %add3A_22 = arith.addi %mul3A_20, %add3A_21 : i32
    %dma_start3A_23 = arith.constant 1 : i32
    %dma_start3A_24 = arith.constant 0 : i32
    %dma_start3A_25 = tpu.memref_slice %arg6[%dma_start3A_23, %dma_start3A_24] : memref<10x128xi32, #tpu.memory_space<vmem>> -> memref<1x128xi32, #tpu.memory_space<vmem>>
    %dma_start3A_26 = tpu.memref_squeeze %dma_start3A_25 : memref<1x128xi32, #tpu.memory_space<vmem>> -> memref<128xi32, #tpu.memory_space<vmem>>
    %dma_start3A_27 = tpu.memref_slice %arg3[%add3A_22] : memref<40000xi32, #tpu.memory_space<hbm>> -> memref<128xi32, #tpu.memory_space<hbm>>
    %dma_start3A_28 = arith.constant 0 : i32
    %dma_start3A_29 = tpu.memref_slice %arg6[%dma_start3A_23, %dma_start3A_28] : memref<10x128xi32, #tpu.memory_space<vmem>> -> memref<1x128xi32, #tpu.memory_space<vmem>>
    %dma_start3A_30 = tpu.memref_squeeze %dma_start3A_29 : memref<1x128xi32, #tpu.memory_space<vmem>> -> memref<128xi32, #tpu.memory_space<vmem>>
    %dma_start3A_31 = tpu.memref_slice %arg3[%add3A_22] : memref<40000xi32, #tpu.memory_space<hbm>> -> memref<128xi32, #tpu.memory_space<hbm>>
    tpu.enqueue_dma source(%dma_start3A_31 : memref<128xi32, #tpu.memory_space<hbm>>) target(%dma_start3A_30 : memref<128xi32, #tpu.memory_space<vmem>>) target_semaphore(%arg11 : memref<!tpu.dma_semaphore, #tpu.memory_space<semaphore_mem>>)
    %mul3A_32 = arith.constant 2 : i32
    %mul3A_33 = arith.muli %mul3A_32, %multiple_of3A : i32
    %add3A_34 = arith.constant 256 : i32
    %add3A_35 = arith.addi %mul3A_33, %add3A_34 : i32
    %dma_start3A_36 = arith.constant 2 : i32
    %dma_start3A_37 = arith.constant 0 : i32
    %dma_start3A_38 = tpu.memref_slice %arg6[%dma_start3A_36, %dma_start3A_37] : memref<10x128xi32, #tpu.memory_space<vmem>> -> memref<1x128xi32, #tpu.memory_space<vmem>>
    %dma_start3A_39 = tpu.memref_squeeze %dma_start3A_38 : memref<1x128xi32, #tpu.memory_space<vmem>> -> memref<128xi32, #tpu.memory_space<vmem>>
    %dma_start3A_40 = tpu.memref_slice %arg3[%add3A_35] : memref<40000xi32, #tpu.memory_space<hbm>> -> memref<128xi32, #tpu.memory_space<hbm>>
    %dma_start3A_41 = arith.constant 0 : i32
    %dma_start3A_42 = tpu.memref_slice %arg6[%dma_start3A_36, %dma_start3A_41] : memref<10x128xi32, #tpu.memory_space<vmem>> -> memref<1x128xi32, #tpu.memory_space<vmem>>
    %dma_start3A_43 = tpu.memref_squeeze %dma_start3A_42 : memref<1x128xi32, #tpu.memory_space<vmem>> -> memref<128xi32, #tpu.memory_space<vmem>>
    %dma_start3A_44 = tpu.memref_slice %arg3[%add3A_35] : memref<40000xi32, #tpu.memory_space<hbm>> -> memref<128xi32, #tpu.memory_space<hbm>>
    tpu.enqueue_dma source(%dma_start3A_44 : memref<128xi32, #tpu.memory_space<hbm>>) target(%dma_start3A_43 : memref<128xi32, #tpu.memory_space<vmem>>) target_semaphore(%arg12 : memref<!tpu.dma_semaphore, #tpu.memory_space<semaphore_mem>>)
    %mul3A_45 = arith.constant 2 : i32
    %mul3A_46 = arith.muli %mul3A_45, %multiple_of3A : i32
    %add3A_47 = arith.constant 384 : i32
    %add3A_48 = arith.addi %mul3A_46, %add3A_47 : i32
    %dma_start3A_49 = arith.constant 3 : i32
    %dma_start3A_50 = arith.constant 0 : i32
    %dma_start3A_51 = tpu.memref_slice %arg6[%dma_start3A_49, %dma_start3A_50] : memref<10x128xi32, #tpu.memory_space<vmem>> -> memref<1x128xi32, #tpu.memory_space<vmem>>
    %dma_start3A_52 = tpu.memref_squeeze %dma_start3A_51 : memref<1x128xi32, #tpu.memory_space<vmem>> -> memref<128xi32, #tpu.memory_space<vmem>>
    %dma_start3A_53 = tpu.memref_slice %arg3[%add3A_48] : memref<40000xi32, #tpu.memory_space<hbm>> -> memref<128xi32, #tpu.memory_space<hbm>>
    %dma_start3A_54 = arith.constant 0 : i32
    %dma_start3A_55 = tpu.memref_slice %arg6[%dma_start3A_49, %dma_start3A_54] : memref<10x128xi32, #tpu.memory_space<vmem>> -> memref<1x128xi32, #tpu.memory_space<vmem>>
    %dma_start3A_56 = tpu.memref_squeeze %dma_start3A_55 : memref<1x128xi32, #tpu.memory_space<vmem>> -> memref<128xi32, #tpu.memory_space<vmem>>
    %dma_start3A_57 = tpu.memref_slice %arg3[%add3A_48] : memref<40000xi32, #tpu.memory_space<hbm>> -> memref<128xi32, #tpu.memory_space<hbm>>
    tpu.enqueue_dma source(%dma_start3A_57 : memref<128xi32, #tpu.memory_space<hbm>>) target(%dma_start3A_56 : memref<128xi32, #tpu.memory_space<vmem>>) target_semaphore(%arg13 : memref<!tpu.dma_semaphore, #tpu.memory_space<semaphore_mem>>)
    %mul3A_58 = arith.constant 2 : i32
    %mul3A_59 = arith.muli %mul3A_58, %multiple_of3A : i32
    %add3A_60 = arith.constant 512 : i32
    %add3A_61 = arith.addi %mul3A_59, %add3A_60 : i32
    %dma_start3A_62 = arith.constant 4 : i32
    %dma_start3A_63 = arith.constant 0 : i32
    %dma_start3A_64 = tpu.memref_slice %arg6[%dma_start3A_62, %dma_start3A_63] : memref<10x128xi32, #tpu.memory_space<vmem>> -> memref<1x128xi32, #tpu.memory_space<vmem>>
    %dma_start3A_65 = tpu.memref_squeeze %dma_start3A_64 : memref<1x128xi32, #tpu.memory_space<vmem>> -> memref<128xi32, #tpu.memory_space<vmem>>
    %dma_start3A_66 = tpu.memref_slice %arg3[%add3A_61] : memref<40000xi32, #tpu.memory_space<hbm>> -> memref<128xi32, #tpu.memory_space<hbm>>
    %dma_start3A_67 = arith.constant 0 : i32
    %dma_start3A_68 = tpu.memref_slice %arg6[%dma_start3A_62, %dma_start3A_67] : memref<10x128xi32, #tpu.memory_space<vmem>> -> memref<1x128xi32, #tpu.memory_space<vmem>>
    %dma_start3A_69 = tpu.memref_squeeze %dma_start3A_68 : memref<1x128xi32, #tpu.memory_space<vmem>> -> memref<128xi32, #tpu.memory_space<vmem>>
    %dma_start3A_70 = tpu.memref_slice %arg3[%add3A_61] : memref<40000xi32, #tpu.memory_space<hbm>> -> memref<128xi32, #tpu.memory_space<hbm>>
    tpu.enqueue_dma source(%dma_start3A_70 : memref<128xi32, #tpu.memory_space<hbm>>) target(%dma_start3A_69 : memref<128xi32, #tpu.memory_space<vmem>>) target_semaphore(%arg14 : memref<!tpu.dma_semaphore, #tpu.memory_space<semaphore_mem>>)
    %mul3A_71 = arith.constant 2 : i32
    %mul3A_72 = arith.muli %mul3A_71, %multiple_of3A : i32
    %add3A_73 = arith.constant 640 : i32
    %add3A_74 = arith.addi %mul3A_72, %add3A_73 : i32
    %dma_start3A_75 = arith.constant 5 : i32
    %dma_start3A_76 = arith.constant 0 : i32
    %dma_start3A_77 = tpu.memref_slice %arg6[%dma_start3A_75, %dma_start3A_76] : memref<10x128xi32, #tpu.memory_space<vmem>> -> memref<1x128xi32, #tpu.memory_space<vmem>>
    %dma_start3A_78 = tpu.memref_squeeze %dma_start3A_77 : memref<1x128xi32, #tpu.memory_space<vmem>> -> memref<128xi32, #tpu.memory_space<vmem>>
    %dma_start3A_79 = tpu.memref_slice %arg3[%add3A_74] : memref<40000xi32, #tpu.memory_space<hbm>> -> memref<128xi32, #tpu.memory_space<hbm>>
    %dma_start3A_80 = arith.constant 0 : i32
    %dma_start3A_81 = tpu.memref_slice %arg6[%dma_start3A_75, %dma_start3A_80] : memref<10x128xi32, #tpu.memory_space<vmem>> -> memref<1x128xi32, #tpu.memory_space<vmem>>
    %dma_start3A_82 = tpu.memref_squeeze %dma_start3A_81 : memref<1x128xi32, #tpu.memory_space<vmem>> -> memref<128xi32, #tpu.memory_space<vmem>>
    %dma_start3A_83 = tpu.memref_slice %arg3[%add3A_74] : memref<40000xi32, #tpu.memory_space<hbm>> -> memref<128xi32, #tpu.memory_space<hbm>>
    tpu.enqueue_dma source(%dma_start3A_83 : memref<128xi32, #tpu.memory_space<hbm>>) target(%dma_start3A_82 : memref<128xi32, #tpu.memory_space<vmem>>) target_semaphore(%arg15 : memref<!tpu.dma_semaphore, #tpu.memory_space<semaphore_mem>>)
    %mul3A_84 = arith.constant 2 : i32
    %mul3A_85 = arith.muli %mul3A_84, %multiple_of3A : i32
    %add3A_86 = arith.constant 768 : i32
    %add3A_87 = arith.addi %mul3A_85, %add3A_86 : i32
    %dma_start3A_88 = arith.constant 6 : i32
    %dma_start3A_89 = arith.constant 0 : i32
    %dma_start3A_90 = tpu.memref_slice %arg6[%dma_start3A_88, %dma_start3A_89] : memref<10x128xi32, #tpu.memory_space<vmem>> -> memref<1x128xi32, #tpu.memory_space<vmem>>
    %dma_start3A_91 = tpu.memref_squeeze %dma_start3A_90 : memref<1x128xi32, #tpu.memory_space<vmem>> -> memref<128xi32, #tpu.memory_space<vmem>>
    %dma_start3A_92 = tpu.memref_slice %arg3[%add3A_87] : memref<40000xi32, #tpu.memory_space<hbm>> -> memref<128xi32, #tpu.memory_space<hbm>>
    %dma_start3A_93 = arith.constant 0 : i32
    %dma_start3A_94 = tpu.memref_slice %arg6[%dma_start3A_88, %dma_start3A_93] : memref<10x128xi32, #tpu.memory_space<vmem>> -> memref<1x128xi32, #tpu.memory_space<vmem>>
    %dma_start3A_95 = tpu.memref_squeeze %dma_start3A_94 : memref<1x128xi32, #tpu.memory_space<vmem>> -> memref<128xi32, #tpu.memory_space<vmem>>
    %dma_start3A_96 = tpu.memref_slice %arg3[%add3A_87] : memref<40000xi32, #tpu.memory_space<hbm>> -> memref<128xi32, #tpu.memory_space<hbm>>
    tpu.enqueue_dma source(%dma_start3A_96 : memref<128xi32, #tpu.memory_space<hbm>>) target(%dma_start3A_95 : memref<128xi32, #tpu.memory_space<vmem>>) target_semaphore(%arg16 : memref<!tpu.dma_semaphore, #tpu.memory_space<semaphore_mem>>)
    %mul3A_97 = arith.constant 2 : i32
    %mul3A_98 = arith.muli %mul3A_97, %multiple_of3A : i32
    %add3A_99 = arith.constant 896 : i32
    %add3A_100 = arith.addi %mul3A_98, %add3A_99 : i32
    %dma_start3A_101 = arith.constant 7 : i32
    %dma_start3A_102 = arith.constant 0 : i32
    %dma_start3A_103 = tpu.memref_slice %arg6[%dma_start3A_101, %dma_start3A_102] : memref<10x128xi32, #tpu.memory_space<vmem>> -> memref<1x128xi32, #tpu.memory_space<vmem>>
    %dma_start3A_104 = tpu.memref_squeeze %dma_start3A_103 : memref<1x128xi32, #tpu.memory_space<vmem>> -> memref<128xi32, #tpu.memory_space<vmem>>
    %dma_start3A_105 = tpu.memref_slice %arg3[%add3A_100] : memref<40000xi32, #tpu.memory_space<hbm>> -> memref<128xi32, #tpu.memory_space<hbm>>
    %dma_start3A_106 = arith.constant 0 : i32
    %dma_start3A_107 = tpu.memref_slice %arg6[%dma_start3A_101, %dma_start3A_106] : memref<10x128xi32, #tpu.memory_space<vmem>> -> memref<1x128xi32, #tpu.memory_space<vmem>>
    %dma_start3A_108 = tpu.memref_squeeze %dma_start3A_107 : memref<1x128xi32, #tpu.memory_space<vmem>> -> memref<128xi32, #tpu.memory_space<vmem>>
    %dma_start3A_109 = tpu.memref_slice %arg3[%add3A_100] : memref<40000xi32, #tpu.memory_space<hbm>> -> memref<128xi32, #tpu.memory_space<hbm>>
    tpu.enqueue_dma source(%dma_start3A_109 : memref<128xi32, #tpu.memory_space<hbm>>) target(%dma_start3A_108 : memref<128xi32, #tpu.memory_space<vmem>>) target_semaphore(%arg17 : memref<!tpu.dma_semaphore, #tpu.memory_space<semaphore_mem>>)
    %mul3A_110 = arith.constant 2 : i32
    %mul3A_111 = arith.muli %mul3A_110, %multiple_of3A : i32
    %add3A_112 = arith.constant 1024 : i32
    %add3A_113 = arith.addi %mul3A_111, %add3A_112 : i32
    %dma_start3A_114 = arith.constant 8 : i32
    %dma_start3A_115 = arith.constant 0 : i32
    %dma_start3A_116 = tpu.memref_slice %arg6[%dma_start3A_114, %dma_start3A_115] : memref<10x128xi32, #tpu.memory_space<vmem>> -> memref<1x128xi32, #tpu.memory_space<vmem>>
    %dma_start3A_117 = tpu.memref_squeeze %dma_start3A_116 : memref<1x128xi32, #tpu.memory_space<vmem>> -> memref<128xi32, #tpu.memory_space<vmem>>
    %dma_start3A_118 = tpu.memref_slice %arg3[%add3A_113] : memref<40000xi32, #tpu.memory_space<hbm>> -> memref<128xi32, #tpu.memory_space<hbm>>
    %dma_start3A_119 = arith.constant 0 : i32
    %dma_start3A_120 = tpu.memref_slice %arg6[%dma_start3A_114, %dma_start3A_119] : memref<10x128xi32, #tpu.memory_space<vmem>> -> memref<1x128xi32, #tpu.memory_space<vmem>>
    %dma_start3A_121 = tpu.memref_squeeze %dma_start3A_120 : memref<1x128xi32, #tpu.memory_space<vmem>> -> memref<128xi32, #tpu.memory_space<vmem>>
    %dma_start3A_122 = tpu.memref_slice %arg3[%add3A_113] : memref<40000xi32, #tpu.memory_space<hbm>> -> memref<128xi32, #tpu.memory_space<hbm>>
    tpu.enqueue_dma source(%dma_start3A_122 : memref<128xi32, #tpu.memory_space<hbm>>) target(%dma_start3A_121 : memref<128xi32, #tpu.memory_space<vmem>>) target_semaphore(%arg18 : memref<!tpu.dma_semaphore, #tpu.memory_space<semaphore_mem>>)
    %mul3A_123 = arith.constant 2 : i32
    %mul3A_124 = arith.muli %mul3A_123, %multiple_of3A : i32
    %add3A_125 = arith.constant 1152 : i32
    %add3A_126 = arith.addi %mul3A_124, %add3A_125 : i32
    %dma_start3A_127 = arith.constant 9 : i32
    %dma_start3A_128 = arith.constant 0 : i32
    %dma_start3A_129 = tpu.memref_slice %arg6[%dma_start3A_127, %dma_start3A_128] : memref<10x128xi32, #tpu.memory_space<vmem>> -> memref<1x128xi32, #tpu.memory_space<vmem>>
    %dma_start3A_130 = tpu.memref_squeeze %dma_start3A_129 : memref<1x128xi32, #tpu.memory_space<vmem>> -> memref<128xi32, #tpu.memory_space<vmem>>
    %dma_start3A_131 = tpu.memref_slice %arg3[%add3A_126] : memref<40000xi32, #tpu.memory_space<hbm>> -> memref<128xi32, #tpu.memory_space<hbm>>
    %dma_start3A_132 = arith.constant 0 : i32
    %dma_start3A_133 = tpu.memref_slice %arg6[%dma_start3A_127, %dma_start3A_132] : memref<10x128xi32, #tpu.memory_space<vmem>> -> memref<1x128xi32, #tpu.memory_space<vmem>>
    %dma_start3A_134 = tpu.memref_squeeze %dma_start3A_133 : memref<1x128xi32, #tpu.memory_space<vmem>> -> memref<128xi32, #tpu.memory_space<vmem>>
    %dma_start3A_135 = tpu.memref_slice %arg3[%add3A_126] : memref<40000xi32, #tpu.memory_space<hbm>> -> memref<128xi32, #tpu.memory_space<hbm>>
    tpu.enqueue_dma source(%dma_start3A_135 : memref<128xi32, #tpu.memory_space<hbm>>) target(%dma_start3A_134 : memref<128xi32, #tpu.memory_space<vmem>>) target_semaphore(%arg19 : memref<!tpu.dma_semaphore, #tpu.memory_space<semaphore_mem>>)
    %dma_wait3A = arith.constant 0 : i32
    %dma_wait3A_136 = arith.constant 0 : i32
    %dma_wait3A_137 = tpu.memref_slice %arg6[%dma_wait3A, %dma_wait3A_136] : memref<10x128xi32, #tpu.memory_space<vmem>> -> memref<1x128xi32, #tpu.memory_space<vmem>>
    %dma_wait3A_138 = tpu.memref_squeeze %dma_wait3A_137 : memref<1x128xi32, #tpu.memory_space<vmem>> -> memref<128xi32, #tpu.memory_space<vmem>>
    %dma_wait3A_139 = tpu.memref_slice %arg3[%add3A_10] : memref<40000xi32, #tpu.memory_space<hbm>> -> memref<128xi32, #tpu.memory_space<hbm>>
    %dma_wait3A_140 = arith.constant 0 : i32
    %dma_wait3A_141 = tpu.memref_slice %arg6[%dma_wait3A, %dma_wait3A_140] : memref<10x128xi32, #tpu.memory_space<vmem>> -> memref<1x128xi32, #tpu.memory_space<vmem>>
    %dma_wait3A_142 = tpu.memref_squeeze %dma_wait3A_141 : memref<1x128xi32, #tpu.memory_space<vmem>> -> memref<128xi32, #tpu.memory_space<vmem>>
    %dma_wait3A_143 = tpu.memref_slice %arg3[%add3A_10] : memref<40000xi32, #tpu.memory_space<hbm>> -> memref<128xi32, #tpu.memory_space<hbm>>
    tpu.wait_dma2 semaphore(%arg10 : memref<!tpu.dma_semaphore, #tpu.memory_space<semaphore_mem>>) src(%dma_wait3A_143 : memref<128xi32, #tpu.memory_space<hbm>>) dst(%dma_wait3A_142 : memref<128xi32, #tpu.memory_space<vmem>>)
    %dma_start3A_144 = arith.constant 0 : i32
    %dma_start3A_145 = arith.constant 0 : i32
    %dma_start3A_146 = tpu.memref_slice %arg7[%dma_start3A_145] : memref<1280xf32, #tpu.memory_space<vmem>> -> memref<128xf32, #tpu.memory_space<vmem>>
    %dma_start3A_147 = arith.constant 0 : i32
    %dma_start3A_148 = tpu.memref_slice %arg6[%dma_start3A_144, %dma_start3A_147] : memref<10x128xi32, #tpu.memory_space<vmem>> -> memref<1x128xi32, #tpu.memory_space<vmem>>
    %dma_start3A_149 = tpu.memref_squeeze %dma_start3A_148 : memref<1x128xi32, #tpu.memory_space<vmem>> -> memref<128xi32, #tpu.memory_space<vmem>>
    %dma_start3A_150 = arith.constant 0 : i32
    %dma_start3A_151 = tpu.memref_slice %arg2[%dma_start3A_150] : memref<262144xf32, #tpu.memory_space<hbm>> -> memref<262144xf32, #tpu.memory_space<hbm>>
    tpu.enqueue_indirect_dma source(%dma_start3A_151 : memref<262144xf32, #tpu.memory_space<hbm>>) target(%dma_start3A_146 : memref<128xf32, #tpu.memory_space<vmem>>) offsets(%dma_start3A_149 : memref<128xi32, #tpu.memory_space<vmem>>) semaphore(%arg20 : memref<!tpu.dma_semaphore, #tpu.memory_space<semaphore_mem>>)
    %dma_wait3A_152 = arith.constant 1 : i32
    %dma_wait3A_153 = arith.constant 0 : i32
    %dma_wait3A_154 = tpu.memref_slice %arg6[%dma_wait3A_152, %dma_wait3A_153] : memref<10x128xi32, #tpu.memory_space<vmem>> -> memref<1x128xi32, #tpu.memory_space<vmem>>
    %dma_wait3A_155 = tpu.memref_squeeze %dma_wait3A_154 : memref<1x128xi32, #tpu.memory_space<vmem>> -> memref<128xi32, #tpu.memory_space<vmem>>
    %dma_wait3A_156 = tpu.memref_slice %arg3[%add3A_22] : memref<40000xi32, #tpu.memory_space<hbm>> -> memref<128xi32, #tpu.memory_space<hbm>>
    %dma_wait3A_157 = arith.constant 0 : i32
    %dma_wait3A_158 = tpu.memref_slice %arg6[%dma_wait3A_152, %dma_wait3A_157] : memref<10x128xi32, #tpu.memory_space<vmem>> -> memref<1x128xi32, #tpu.memory_space<vmem>>
    %dma_wait3A_159 = tpu.memref_squeeze %dma_wait3A_158 : memref<1x128xi32, #tpu.memory_space<vmem>> -> memref<128xi32, #tpu.memory_space<vmem>>
    %dma_wait3A_160 = tpu.memref_slice %arg3[%add3A_22] : memref<40000xi32, #tpu.memory_space<hbm>> -> memref<128xi32, #tpu.memory_space<hbm>>
    tpu.wait_dma2 semaphore(%arg11 : memref<!tpu.dma_semaphore, #tpu.memory_space<semaphore_mem>>) src(%dma_wait3A_160 : memref<128xi32, #tpu.memory_space<hbm>>) dst(%dma_wait3A_159 : memref<128xi32, #tpu.memory_space<vmem>>)
    %dma_start3A_161 = arith.constant 1 : i32
    %dma_start3A_162 = arith.constant 128 : i32
    %dma_start3A_163 = tpu.memref_slice %arg7[%dma_start3A_162] : memref<1280xf32, #tpu.memory_space<vmem>> -> memref<128xf32, #tpu.memory_space<vmem>>
    %dma_start3A_164 = arith.constant 0 : i32
    %dma_start3A_165 = tpu.memref_slice %arg6[%dma_start3A_161, %dma_start3A_164] : memref<10x128xi32, #tpu.memory_space<vmem>> -> memref<1x128xi32, #tpu.memory_space<vmem>>
    %dma_start3A_166 = tpu.memref_squeeze %dma_start3A_165 : memref<1x128xi32, #tpu.memory_space<vmem>> -> memref<128xi32, #tpu.memory_space<vmem>>
    %dma_start3A_167 = arith.constant 0 : i32
    %dma_start3A_168 = tpu.memref_slice %arg2[%dma_start3A_167] : memref<262144xf32, #tpu.memory_space<hbm>> -> memref<262144xf32, #tpu.memory_space<hbm>>
    tpu.enqueue_indirect_dma source(%dma_start3A_168 : memref<262144xf32, #tpu.memory_space<hbm>>) target(%dma_start3A_163 : memref<128xf32, #tpu.memory_space<vmem>>) offsets(%dma_start3A_166 : memref<128xi32, #tpu.memory_space<vmem>>) semaphore(%arg21 : memref<!tpu.dma_semaphore, #tpu.memory_space<semaphore_mem>>)
    %dma_wait3A_169 = arith.constant 2 : i32
    %dma_wait3A_170 = arith.constant 0 : i32
    %dma_wait3A_171 = tpu.memref_slice %arg6[%dma_wait3A_169, %dma_wait3A_170] : memref<10x128xi32, #tpu.memory_space<vmem>> -> memref<1x128xi32, #tpu.memory_space<vmem>>
    %dma_wait3A_172 = tpu.memref_squeeze %dma_wait3A_171 : memref<1x128xi32, #tpu.memory_space<vmem>> -> memref<128xi32, #tpu.memory_space<vmem>>
    %dma_wait3A_173 = tpu.memref_slice %arg3[%add3A_35] : memref<40000xi32, #tpu.memory_space<hbm>> -> memref<128xi32, #tpu.memory_space<hbm>>
    %dma_wait3A_174 = arith.constant 0 : i32
    %dma_wait3A_175 = tpu.memref_slice %arg6[%dma_wait3A_169, %dma_wait3A_174] : memref<10x128xi32, #tpu.memory_space<vmem>> -> memref<1x128xi32, #tpu.memory_space<vmem>>
    %dma_wait3A_176 = tpu.memref_squeeze %dma_wait3A_175 : memref<1x128xi32, #tpu.memory_space<vmem>> -> memref<128xi32, #tpu.memory_space<vmem>>
    %dma_wait3A_177 = tpu.memref_slice %arg3[%add3A_35] : memref<40000xi32, #tpu.memory_space<hbm>> -> memref<128xi32, #tpu.memory_space<hbm>>
    tpu.wait_dma2 semaphore(%arg12 : memref<!tpu.dma_semaphore, #tpu.memory_space<semaphore_mem>>) src(%dma_wait3A_177 : memref<128xi32, #tpu.memory_space<hbm>>) dst(%dma_wait3A_176 : memref<128xi32, #tpu.memory_space<vmem>>)
    %dma_start3A_178 = arith.constant 2 : i32
    %dma_start3A_179 = arith.constant 256 : i32
    %dma_start3A_180 = tpu.memref_slice %arg7[%dma_start3A_179] : memref<1280xf32, #tpu.memory_space<vmem>> -> memref<128xf32, #tpu.memory_space<vmem>>
    %dma_start3A_181 = arith.constant 0 : i32
    %dma_start3A_182 = tpu.memref_slice %arg6[%dma_start3A_178, %dma_start3A_181] : memref<10x128xi32, #tpu.memory_space<vmem>> -> memref<1x128xi32, #tpu.memory_space<vmem>>
    %dma_start3A_183 = tpu.memref_squeeze %dma_start3A_182 : memref<1x128xi32, #tpu.memory_space<vmem>> -> memref<128xi32, #tpu.memory_space<vmem>>
    %dma_start3A_184 = arith.constant 0 : i32
    %dma_start3A_185 = tpu.memref_slice %arg2[%dma_start3A_184] : memref<262144xf32, #tpu.memory_space<hbm>> -> memref<262144xf32, #tpu.memory_space<hbm>>
    tpu.enqueue_indirect_dma source(%dma_start3A_185 : memref<262144xf32, #tpu.memory_space<hbm>>) target(%dma_start3A_180 : memref<128xf32, #tpu.memory_space<vmem>>) offsets(%dma_start3A_183 : memref<128xi32, #tpu.memory_space<vmem>>) semaphore(%arg22 : memref<!tpu.dma_semaphore, #tpu.memory_space<semaphore_mem>>)
    %dma_wait3A_186 = arith.constant 3 : i32
    %dma_wait3A_187 = arith.constant 0 : i32
    %dma_wait3A_188 = tpu.memref_slice %arg6[%dma_wait3A_186, %dma_wait3A_187] : memref<10x128xi32, #tpu.memory_space<vmem>> -> memref<1x128xi32, #tpu.memory_space<vmem>>
    %dma_wait3A_189 = tpu.memref_squeeze %dma_wait3A_188 : memref<1x128xi32, #tpu.memory_space<vmem>> -> memref<128xi32, #tpu.memory_space<vmem>>
    %dma_wait3A_190 = tpu.memref_slice %arg3[%add3A_48] : memref<40000xi32, #tpu.memory_space<hbm>> -> memref<128xi32, #tpu.memory_space<hbm>>
    %dma_wait3A_191 = arith.constant 0 : i32
    %dma_wait3A_192 = tpu.memref_slice %arg6[%dma_wait3A_186, %dma_wait3A_191] : memref<10x128xi32, #tpu.memory_space<vmem>> -> memref<1x128xi32, #tpu.memory_space<vmem>>
    %dma_wait3A_193 = tpu.memref_squeeze %dma_wait3A_192 : memref<1x128xi32, #tpu.memory_space<vmem>> -> memref<128xi32, #tpu.memory_space<vmem>>
    %dma_wait3A_194 = tpu.memref_slice %arg3[%add3A_48] : memref<40000xi32, #tpu.memory_space<hbm>> -> memref<128xi32, #tpu.memory_space<hbm>>
    tpu.wait_dma2 semaphore(%arg13 : memref<!tpu.dma_semaphore, #tpu.memory_space<semaphore_mem>>) src(%dma_wait3A_194 : memref<128xi32, #tpu.memory_space<hbm>>) dst(%dma_wait3A_193 : memref<128xi32, #tpu.memory_space<vmem>>)
    %dma_start3A_195 = arith.constant 3 : i32
    %dma_start3A_196 = arith.constant 384 : i32
    %dma_start3A_197 = tpu.memref_slice %arg7[%dma_start3A_196] : memref<1280xf32, #tpu.memory_space<vmem>> -> memref<128xf32, #tpu.memory_space<vmem>>
    %dma_start3A_198 = arith.constant 0 : i32
    %dma_start3A_199 = tpu.memref_slice %arg6[%dma_start3A_195, %dma_start3A_198] : memref<10x128xi32, #tpu.memory_space<vmem>> -> memref<1x128xi32, #tpu.memory_space<vmem>>
    %dma_start3A_200 = tpu.memref_squeeze %dma_start3A_199 : memref<1x128xi32, #tpu.memory_space<vmem>> -> memref<128xi32, #tpu.memory_space<vmem>>
    %dma_start3A_201 = arith.constant 0 : i32
    %dma_start3A_202 = tpu.memref_slice %arg2[%dma_start3A_201] : memref<262144xf32, #tpu.memory_space<hbm>> -> memref<262144xf32, #tpu.memory_space<hbm>>
    tpu.enqueue_indirect_dma source(%dma_start3A_202 : memref<262144xf32, #tpu.memory_space<hbm>>) target(%dma_start3A_197 : memref<128xf32, #tpu.memory_space<vmem>>) offsets(%dma_start3A_200 : memref<128xi32, #tpu.memory_space<vmem>>) semaphore(%arg23 : memref<!tpu.dma_semaphore, #tpu.memory_space<semaphore_mem>>)
    %dma_wait3A_203 = arith.constant 4 : i32
    %dma_wait3A_204 = arith.constant 0 : i32
    %dma_wait3A_205 = tpu.memref_slice %arg6[%dma_wait3A_203, %dma_wait3A_204] : memref<10x128xi32, #tpu.memory_space<vmem>> -> memref<1x128xi32, #tpu.memory_space<vmem>>
    %dma_wait3A_206 = tpu.memref_squeeze %dma_wait3A_205 : memref<1x128xi32, #tpu.memory_space<vmem>> -> memref<128xi32, #tpu.memory_space<vmem>>
    %dma_wait3A_207 = tpu.memref_slice %arg3[%add3A_61] : memref<40000xi32, #tpu.memory_space<hbm>> -> memref<128xi32, #tpu.memory_space<hbm>>
    %dma_wait3A_208 = arith.constant 0 : i32
    %dma_wait3A_209 = tpu.memref_slice %arg6[%dma_wait3A_203, %dma_wait3A_208] : memref<10x128xi32, #tpu.memory_space<vmem>> -> memref<1x128xi32, #tpu.memory_space<vmem>>
    %dma_wait3A_210 = tpu.memref_squeeze %dma_wait3A_209 : memref<1x128xi32, #tpu.memory_space<vmem>> -> memref<128xi32, #tpu.memory_space<vmem>>
    %dma_wait3A_211 = tpu.memref_slice %arg3[%add3A_61] : memref<40000xi32, #tpu.memory_space<hbm>> -> memref<128xi32, #tpu.memory_space<hbm>>
    tpu.wait_dma2 semaphore(%arg14 : memref<!tpu.dma_semaphore, #tpu.memory_space<semaphore_mem>>) src(%dma_wait3A_211 : memref<128xi32, #tpu.memory_space<hbm>>) dst(%dma_wait3A_210 : memref<128xi32, #tpu.memory_space<vmem>>)
    %dma_start3A_212 = arith.constant 4 : i32
    %dma_start3A_213 = arith.constant 512 : i32
    %dma_start3A_214 = tpu.memref_slice %arg7[%dma_start3A_213] : memref<1280xf32, #tpu.memory_space<vmem>> -> memref<128xf32, #tpu.memory_space<vmem>>
    %dma_start3A_215 = arith.constant 0 : i32
    %dma_start3A_216 = tpu.memref_slice %arg6[%dma_start3A_212, %dma_start3A_215] : memref<10x128xi32, #tpu.memory_space<vmem>> -> memref<1x128xi32, #tpu.memory_space<vmem>>
    %dma_start3A_217 = tpu.memref_squeeze %dma_start3A_216 : memref<1x128xi32, #tpu.memory_space<vmem>> -> memref<128xi32, #tpu.memory_space<vmem>>
    %dma_start3A_218 = arith.constant 0 : i32
    %dma_start3A_219 = tpu.memref_slice %arg2[%dma_start3A_218] : memref<262144xf32, #tpu.memory_space<hbm>> -> memref<262144xf32, #tpu.memory_space<hbm>>
    tpu.enqueue_indirect_dma source(%dma_start3A_219 : memref<262144xf32, #tpu.memory_space<hbm>>) target(%dma_start3A_214 : memref<128xf32, #tpu.memory_space<vmem>>) offsets(%dma_start3A_217 : memref<128xi32, #tpu.memory_space<vmem>>) semaphore(%arg24 : memref<!tpu.dma_semaphore, #tpu.memory_space<semaphore_mem>>)
    %dma_wait3A_220 = arith.constant 5 : i32
    %dma_wait3A_221 = arith.constant 0 : i32
    %dma_wait3A_222 = tpu.memref_slice %arg6[%dma_wait3A_220, %dma_wait3A_221] : memref<10x128xi32, #tpu.memory_space<vmem>> -> memref<1x128xi32, #tpu.memory_space<vmem>>
    %dma_wait3A_223 = tpu.memref_squeeze %dma_wait3A_222 : memref<1x128xi32, #tpu.memory_space<vmem>> -> memref<128xi32, #tpu.memory_space<vmem>>
    %dma_wait3A_224 = tpu.memref_slice %arg3[%add3A_74] : memref<40000xi32, #tpu.memory_space<hbm>> -> memref<128xi32, #tpu.memory_space<hbm>>
    %dma_wait3A_225 = arith.constant 0 : i32
    %dma_wait3A_226 = tpu.memref_slice %arg6[%dma_wait3A_220, %dma_wait3A_225] : memref<10x128xi32, #tpu.memory_space<vmem>> -> memref<1x128xi32, #tpu.memory_space<vmem>>
    %dma_wait3A_227 = tpu.memref_squeeze %dma_wait3A_226 : memref<1x128xi32, #tpu.memory_space<vmem>> -> memref<128xi32, #tpu.memory_space<vmem>>
    %dma_wait3A_228 = tpu.memref_slice %arg3[%add3A_74] : memref<40000xi32, #tpu.memory_space<hbm>> -> memref<128xi32, #tpu.memory_space<hbm>>
    tpu.wait_dma2 semaphore(%arg15 : memref<!tpu.dma_semaphore, #tpu.memory_space<semaphore_mem>>) src(%dma_wait3A_228 : memref<128xi32, #tpu.memory_space<hbm>>) dst(%dma_wait3A_227 : memref<128xi32, #tpu.memory_space<vmem>>)
    %dma_start3A_229 = arith.constant 5 : i32
    %dma_start3A_230 = arith.constant 640 : i32
    %dma_start3A_231 = tpu.memref_slice %arg7[%dma_start3A_230] : memref<1280xf32, #tpu.memory_space<vmem>> -> memref<128xf32, #tpu.memory_space<vmem>>
    %dma_start3A_232 = arith.constant 0 : i32
    %dma_start3A_233 = tpu.memref_slice %arg6[%dma_start3A_229, %dma_start3A_232] : memref<10x128xi32, #tpu.memory_space<vmem>> -> memref<1x128xi32, #tpu.memory_space<vmem>>
    %dma_start3A_234 = tpu.memref_squeeze %dma_start3A_233 : memref<1x128xi32, #tpu.memory_space<vmem>> -> memref<128xi32, #tpu.memory_space<vmem>>
    %dma_start3A_235 = arith.constant 0 : i32
    %dma_start3A_236 = tpu.memref_slice %arg2[%dma_start3A_235] : memref<262144xf32, #tpu.memory_space<hbm>> -> memref<262144xf32, #tpu.memory_space<hbm>>
    tpu.enqueue_indirect_dma source(%dma_start3A_236 : memref<262144xf32, #tpu.memory_space<hbm>>) target(%dma_start3A_231 : memref<128xf32, #tpu.memory_space<vmem>>) offsets(%dma_start3A_234 : memref<128xi32, #tpu.memory_space<vmem>>) semaphore(%arg25 : memref<!tpu.dma_semaphore, #tpu.memory_space<semaphore_mem>>)
    %dma_wait3A_237 = arith.constant 6 : i32
    %dma_wait3A_238 = arith.constant 0 : i32
    %dma_wait3A_239 = tpu.memref_slice %arg6[%dma_wait3A_237, %dma_wait3A_238] : memref<10x128xi32, #tpu.memory_space<vmem>> -> memref<1x128xi32, #tpu.memory_space<vmem>>
    %dma_wait3A_240 = tpu.memref_squeeze %dma_wait3A_239 : memref<1x128xi32, #tpu.memory_space<vmem>> -> memref<128xi32, #tpu.memory_space<vmem>>
    %dma_wait3A_241 = tpu.memref_slice %arg3[%add3A_87] : memref<40000xi32, #tpu.memory_space<hbm>> -> memref<128xi32, #tpu.memory_space<hbm>>
    %dma_wait3A_242 = arith.constant 0 : i32
    %dma_wait3A_243 = tpu.memref_slice %arg6[%dma_wait3A_237, %dma_wait3A_242] : memref<10x128xi32, #tpu.memory_space<vmem>> -> memref<1x128xi32, #tpu.memory_space<vmem>>
    %dma_wait3A_244 = tpu.memref_squeeze %dma_wait3A_243 : memref<1x128xi32, #tpu.memory_space<vmem>> -> memref<128xi32, #tpu.memory_space<vmem>>
    %dma_wait3A_245 = tpu.memref_slice %arg3[%add3A_87] : memref<40000xi32, #tpu.memory_space<hbm>> -> memref<128xi32, #tpu.memory_space<hbm>>
    tpu.wait_dma2 semaphore(%arg16 : memref<!tpu.dma_semaphore, #tpu.memory_space<semaphore_mem>>) src(%dma_wait3A_245 : memref<128xi32, #tpu.memory_space<hbm>>) dst(%dma_wait3A_244 : memref<128xi32, #tpu.memory_space<vmem>>)
    %dma_start3A_246 = arith.constant 6 : i32
    %dma_start3A_247 = arith.constant 768 : i32
    %dma_start3A_248 = tpu.memref_slice %arg7[%dma_start3A_247] : memref<1280xf32, #tpu.memory_space<vmem>> -> memref<128xf32, #tpu.memory_space<vmem>>
    %dma_start3A_249 = arith.constant 0 : i32
    %dma_start3A_250 = tpu.memref_slice %arg6[%dma_start3A_246, %dma_start3A_249] : memref<10x128xi32, #tpu.memory_space<vmem>> -> memref<1x128xi32, #tpu.memory_space<vmem>>
    %dma_start3A_251 = tpu.memref_squeeze %dma_start3A_250 : memref<1x128xi32, #tpu.memory_space<vmem>> -> memref<128xi32, #tpu.memory_space<vmem>>
    %dma_start3A_252 = arith.constant 0 : i32
    %dma_start3A_253 = tpu.memref_slice %arg2[%dma_start3A_252] : memref<262144xf32, #tpu.memory_space<hbm>> -> memref<262144xf32, #tpu.memory_space<hbm>>
    tpu.enqueue_indirect_dma source(%dma_start3A_253 : memref<262144xf32, #tpu.memory_space<hbm>>) target(%dma_start3A_248 : memref<128xf32, #tpu.memory_space<vmem>>) offsets(%dma_start3A_251 : memref<128xi32, #tpu.memory_space<vmem>>) semaphore(%arg26 : memref<!tpu.dma_semaphore, #tpu.memory_space<semaphore_mem>>)
    %dma_wait3A_254 = arith.constant 7 : i32
    %dma_wait3A_255 = arith.constant 0 : i32
    %dma_wait3A_256 = tpu.memref_slice %arg6[%dma_wait3A_254, %dma_wait3A_255] : memref<10x128xi32, #tpu.memory_space<vmem>> -> memref<1x128xi32, #tpu.memory_space<vmem>>
    %dma_wait3A_257 = tpu.memref_squeeze %dma_wait3A_256 : memref<1x128xi32, #tpu.memory_space<vmem>> -> memref<128xi32, #tpu.memory_space<vmem>>
    %dma_wait3A_258 = tpu.memref_slice %arg3[%add3A_100] : memref<40000xi32, #tpu.memory_space<hbm>> -> memref<128xi32, #tpu.memory_space<hbm>>
    %dma_wait3A_259 = arith.constant 0 : i32
    %dma_wait3A_260 = tpu.memref_slice %arg6[%dma_wait3A_254, %dma_wait3A_259] : memref<10x128xi32, #tpu.memory_space<vmem>> -> memref<1x128xi32, #tpu.memory_space<vmem>>
    %dma_wait3A_261 = tpu.memref_squeeze %dma_wait3A_260 : memref<1x128xi32, #tpu.memory_space<vmem>> -> memref<128xi32, #tpu.memory_space<vmem>>
    %dma_wait3A_262 = tpu.memref_slice %arg3[%add3A_100] : memref<40000xi32, #tpu.memory_space<hbm>> -> memref<128xi32, #tpu.memory_space<hbm>>
    tpu.wait_dma2 semaphore(%arg17 : memref<!tpu.dma_semaphore, #tpu.memory_space<semaphore_mem>>) src(%dma_wait3A_262 : memref<128xi32, #tpu.memory_space<hbm>>) dst(%dma_wait3A_261 : memref<128xi32, #tpu.memory_space<vmem>>)
    %dma_start3A_263 = arith.constant 7 : i32
    %dma_start3A_264 = arith.constant 896 : i32
    %dma_start3A_265 = tpu.memref_slice %arg7[%dma_start3A_264] : memref<1280xf32, #tpu.memory_space<vmem>> -> memref<128xf32, #tpu.memory_space<vmem>>
    %dma_start3A_266 = arith.constant 0 : i32
    %dma_start3A_267 = tpu.memref_slice %arg6[%dma_start3A_263, %dma_start3A_266] : memref<10x128xi32, #tpu.memory_space<vmem>> -> memref<1x128xi32, #tpu.memory_space<vmem>>
    %dma_start3A_268 = tpu.memref_squeeze %dma_start3A_267 : memref<1x128xi32, #tpu.memory_space<vmem>> -> memref<128xi32, #tpu.memory_space<vmem>>
    %dma_start3A_269 = arith.constant 0 : i32
    %dma_start3A_270 = tpu.memref_slice %arg2[%dma_start3A_269] : memref<262144xf32, #tpu.memory_space<hbm>> -> memref<262144xf32, #tpu.memory_space<hbm>>
    tpu.enqueue_indirect_dma source(%dma_start3A_270 : memref<262144xf32, #tpu.memory_space<hbm>>) target(%dma_start3A_265 : memref<128xf32, #tpu.memory_space<vmem>>) offsets(%dma_start3A_268 : memref<128xi32, #tpu.memory_space<vmem>>) semaphore(%arg27 : memref<!tpu.dma_semaphore, #tpu.memory_space<semaphore_mem>>)
    %dma_wait3A_271 = arith.constant 8 : i32
    %dma_wait3A_272 = arith.constant 0 : i32
    %dma_wait3A_273 = tpu.memref_slice %arg6[%dma_wait3A_271, %dma_wait3A_272] : memref<10x128xi32, #tpu.memory_space<vmem>> -> memref<1x128xi32, #tpu.memory_space<vmem>>
    %dma_wait3A_274 = tpu.memref_squeeze %dma_wait3A_273 : memref<1x128xi32, #tpu.memory_space<vmem>> -> memref<128xi32, #tpu.memory_space<vmem>>
    %dma_wait3A_275 = tpu.memref_slice %arg3[%add3A_113] : memref<40000xi32, #tpu.memory_space<hbm>> -> memref<128xi32, #tpu.memory_space<hbm>>
    %dma_wait3A_276 = arith.constant 0 : i32
    %dma_wait3A_277 = tpu.memref_slice %arg6[%dma_wait3A_271, %dma_wait3A_276] : memref<10x128xi32, #tpu.memory_space<vmem>> -> memref<1x128xi32, #tpu.memory_space<vmem>>
    %dma_wait3A_278 = tpu.memref_squeeze %dma_wait3A_277 : memref<1x128xi32, #tpu.memory_space<vmem>> -> memref<128xi32, #tpu.memory_space<vmem>>
    %dma_wait3A_279 = tpu.memref_slice %arg3[%add3A_113] : memref<40000xi32, #tpu.memory_space<hbm>> -> memref<128xi32, #tpu.memory_space<hbm>>
    tpu.wait_dma2 semaphore(%arg18 : memref<!tpu.dma_semaphore, #tpu.memory_space<semaphore_mem>>) src(%dma_wait3A_279 : memref<128xi32, #tpu.memory_space<hbm>>) dst(%dma_wait3A_278 : memref<128xi32, #tpu.memory_space<vmem>>)
    %dma_start3A_280 = arith.constant 8 : i32
    %dma_start3A_281 = arith.constant 1024 : i32
    %dma_start3A_282 = tpu.memref_slice %arg7[%dma_start3A_281] : memref<1280xf32, #tpu.memory_space<vmem>> -> memref<128xf32, #tpu.memory_space<vmem>>
    %dma_start3A_283 = arith.constant 0 : i32
    %dma_start3A_284 = tpu.memref_slice %arg6[%dma_start3A_280, %dma_start3A_283] : memref<10x128xi32, #tpu.memory_space<vmem>> -> memref<1x128xi32, #tpu.memory_space<vmem>>
    %dma_start3A_285 = tpu.memref_squeeze %dma_start3A_284 : memref<1x128xi32, #tpu.memory_space<vmem>> -> memref<128xi32, #tpu.memory_space<vmem>>
    %dma_start3A_286 = arith.constant 0 : i32
    %dma_start3A_287 = tpu.memref_slice %arg2[%dma_start3A_286] : memref<262144xf32, #tpu.memory_space<hbm>> -> memref<262144xf32, #tpu.memory_space<hbm>>
    tpu.enqueue_indirect_dma source(%dma_start3A_287 : memref<262144xf32, #tpu.memory_space<hbm>>) target(%dma_start3A_282 : memref<128xf32, #tpu.memory_space<vmem>>) offsets(%dma_start3A_285 : memref<128xi32, #tpu.memory_space<vmem>>) semaphore(%arg28 : memref<!tpu.dma_semaphore, #tpu.memory_space<semaphore_mem>>)
    %dma_wait3A_288 = arith.constant 9 : i32
    %dma_wait3A_289 = arith.constant 0 : i32
    %dma_wait3A_290 = tpu.memref_slice %arg6[%dma_wait3A_288, %dma_wait3A_289] : memref<10x128xi32, #tpu.memory_space<vmem>> -> memref<1x128xi32, #tpu.memory_space<vmem>>
    %dma_wait3A_291 = tpu.memref_squeeze %dma_wait3A_290 : memref<1x128xi32, #tpu.memory_space<vmem>> -> memref<128xi32, #tpu.memory_space<vmem>>
    %dma_wait3A_292 = tpu.memref_slice %arg3[%add3A_126] : memref<40000xi32, #tpu.memory_space<hbm>> -> memref<128xi32, #tpu.memory_space<hbm>>
    %dma_wait3A_293 = arith.constant 0 : i32
    %dma_wait3A_294 = tpu.memref_slice %arg6[%dma_wait3A_288, %dma_wait3A_293] : memref<10x128xi32, #tpu.memory_space<vmem>> -> memref<1x128xi32, #tpu.memory_space<vmem>>
    %dma_wait3A_295 = tpu.memref_squeeze %dma_wait3A_294 : memref<1x128xi32, #tpu.memory_space<vmem>> -> memref<128xi32, #tpu.memory_space<vmem>>
    %dma_wait3A_296 = tpu.memref_slice %arg3[%add3A_126] : memref<40000xi32, #tpu.memory_space<hbm>> -> memref<128xi32, #tpu.memory_space<hbm>>
    tpu.wait_dma2 semaphore(%arg19 : memref<!tpu.dma_semaphore, #tpu.memory_space<semaphore_mem>>) src(%dma_wait3A_296 : memref<128xi32, #tpu.memory_space<hbm>>) dst(%dma_wait3A_295 : memref<128xi32, #tpu.memory_space<vmem>>)
    %dma_start3A_297 = arith.constant 9 : i32
    %dma_start3A_298 = arith.constant 1152 : i32
    %dma_start3A_299 = tpu.memref_slice %arg7[%dma_start3A_298] : memref<1280xf32, #tpu.memory_space<vmem>> -> memref<128xf32, #tpu.memory_space<vmem>>
    %dma_start3A_300 = arith.constant 0 : i32
    %dma_start3A_301 = tpu.memref_slice %arg6[%dma_start3A_297, %dma_start3A_300] : memref<10x128xi32, #tpu.memory_space<vmem>> -> memref<1x128xi32, #tpu.memory_space<vmem>>
    %dma_start3A_302 = tpu.memref_squeeze %dma_start3A_301 : memref<1x128xi32, #tpu.memory_space<vmem>> -> memref<128xi32, #tpu.memory_space<vmem>>
    %dma_start3A_303 = arith.constant 0 : i32
    %dma_start3A_304 = tpu.memref_slice %arg2[%dma_start3A_303] : memref<262144xf32, #tpu.memory_space<hbm>> -> memref<262144xf32, #tpu.memory_space<hbm>>
    tpu.enqueue_indirect_dma source(%dma_start3A_304 : memref<262144xf32, #tpu.memory_space<hbm>>) target(%dma_start3A_299 : memref<128xf32, #tpu.memory_space<vmem>>) offsets(%dma_start3A_302 : memref<128xi32, #tpu.memory_space<vmem>>) semaphore(%arg29 : memref<!tpu.dma_semaphore, #tpu.memory_space<semaphore_mem>>)
    %dma_wait3A_305 = arith.constant 0 : i32
    %dma_wait3A_306 = arith.constant 0 : i32
    %dma_wait3A_307 = tpu.memref_slice %arg7[%dma_wait3A_306] : memref<1280xf32, #tpu.memory_space<vmem>> -> memref<128xf32, #tpu.memory_space<vmem>>
    %dma_wait3A_308 = arith.constant 0 : i32
    %dma_wait3A_309 = tpu.memref_slice %arg6[%dma_wait3A_305, %dma_wait3A_308] : memref<10x128xi32, #tpu.memory_space<vmem>> -> memref<1x128xi32, #tpu.memory_space<vmem>>
    %dma_wait3A_310 = tpu.memref_squeeze %dma_wait3A_309 : memref<1x128xi32, #tpu.memory_space<vmem>> -> memref<128xi32, #tpu.memory_space<vmem>>
    %dma_wait3A_311 = arith.constant 0 : i32
    %dma_wait3A_312 = tpu.memref_slice %arg2[%dma_wait3A_311] : memref<262144xf32, #tpu.memory_space<hbm>> -> memref<262144xf32, #tpu.memory_space<hbm>>
    tpu.wait_indirect_dma semaphore(%arg20 : memref<!tpu.dma_semaphore, #tpu.memory_space<semaphore_mem>>) src(%dma_wait3A_312 : memref<262144xf32, #tpu.memory_space<hbm>>) dst(%dma_wait3A_307 : memref<128xf32, #tpu.memory_space<vmem>>)
    %add3A_313 = arith.constant 0 : i32
    %add3A_314 = vector.broadcast %add3A_313 : i32 to vector<16xi32>
    %add3A_315 = arith.addi %mul3A_6, %add3A_314 : vector<16xi32>
    %gather3A = tpu.vector_load_idx %arg7[%add3A_315] : memref<1280xf32, #tpu.memory_space<vmem>>[vector<16xi32>], vector<16xf32>,
    %swap3A = arith.constant 0 : index
    %swap3A_316 = tpu.vector_load %arg8[%swap3A] {strides = array<i32>} : memref<640xf32, #tpu.memory_space<vmem>>, vector<16xf32>,
    tpu.vector_store %arg8[%swap3A], %gather3A {strides = array<i32>} : memref<640xf32, #tpu.memory_space<vmem>>, vector<16xf32>,
    %add3A_317 = arith.constant 1 : i32
    %add3A_318 = vector.broadcast %add3A_317 : i32 to vector<16xi32>
    %add3A_319 = arith.addi %add3A_315, %add3A_318 : vector<16xi32>
    %gather3A_320 = tpu.vector_load_idx %arg7[%add3A_319] : memref<1280xf32, #tpu.memory_space<vmem>>[vector<16xi32>], vector<16xf32>,
    %swap3A_321 = arith.constant 0 : index
    %swap3A_322 = tpu.vector_load %arg9[%swap3A_321] {strides = array<i32>} : memref<640xf32, #tpu.memory_space<vmem>>, vector<16xf32>,
    tpu.vector_store %arg9[%swap3A_321], %gather3A_320 {strides = array<i32>} : memref<640xf32, #tpu.memory_space<vmem>>, vector<16xf32>,
    %add3A_323 = arith.constant 32 : i32
    %add3A_324 = vector.broadcast %add3A_323 : i32 to vector<16xi32>
    %add3A_325 = arith.addi %mul3A_6, %add3A_324 : vector<16xi32>
    %gather3A_326 = tpu.vector_load_idx %arg7[%add3A_325] : memref<1280xf32, #tpu.memory_space<vmem>>[vector<16xi32>], vector<16xf32>,
    %swap3A_327 = arith.constant 16 : index
    %swap3A_328 = tpu.vector_load %arg8[%swap3A_327] {strides = array<i32>} : memref<640xf32, #tpu.memory_space<vmem>>, vector<16xf32>,
    tpu.vector_store %arg8[%swap3A_327], %gather3A_326 {strides = array<i32>} : memref<640xf32, #tpu.memory_space<vmem>>, vector<16xf32>,
    %add3A_329 = arith.constant 1 : i32
    %add3A_330 = vector.broadcast %add3A_329 : i32 to vector<16xi32>
    %add3A_331 = arith.addi %add3A_325, %add3A_330 : vector<16xi32>
    %gather3A_332 = tpu.vector_load_idx %arg7[%add3A_331] : memref<1280xf32, #tpu.memory_space<vmem>>[vector<16xi32>], vector<16xf32>,
    %swap3A_333 = arith.constant 16 : index
    %swap3A_334 = tpu.vector_load %arg9[%swap3A_333] {strides = array<i32>} : memref<640xf32, #tpu.memory_space<vmem>>, vector<16xf32>,
    tpu.vector_store %arg9[%swap3A_333], %gather3A_332 {strides = array<i32>} : memref<640xf32, #tpu.memory_space<vmem>>, vector<16xf32>,
    %add3A_335 = arith.constant 64 : i32
    %add3A_336 = vector.broadcast %add3A_335 : i32 to vector<16xi32>
    %add3A_337 = arith.addi %mul3A_6, %add3A_336 : vector<16xi32>
    %gather3A_338 = tpu.vector_load_idx %arg7[%add3A_337] : memref<1280xf32, #tpu.memory_space<vmem>>[vector<16xi32>], vector<16xf32>,
    %swap3A_339 = arith.constant 32 : index
    %swap3A_340 = tpu.vector_load %arg8[%swap3A_339] {strides = array<i32>} : memref<640xf32, #tpu.memory_space<vmem>>, vector<16xf32>,
    tpu.vector_store %arg8[%swap3A_339], %gather3A_338 {strides = array<i32>} : memref<640xf32, #tpu.memory_space<vmem>>, vector<16xf32>,
    %add3A_341 = arith.constant 1 : i32
    %add3A_342 = vector.broadcast %add3A_341 : i32 to vector<16xi32>
    %add3A_343 = arith.addi %add3A_337, %add3A_342 : vector<16xi32>
    %gather3A_344 = tpu.vector_load_idx %arg7[%add3A_343] : memref<1280xf32, #tpu.memory_space<vmem>>[vector<16xi32>], vector<16xf32>,
    %swap3A_345 = arith.constant 32 : index
    %swap3A_346 = tpu.vector_load %arg9[%swap3A_345] {strides = array<i32>} : memref<640xf32, #tpu.memory_space<vmem>>, vector<16xf32>,
    tpu.vector_store %arg9[%swap3A_345], %gather3A_344 {strides = array<i32>} : memref<640xf32, #tpu.memory_space<vmem>>, vector<16xf32>,
    %add3A_347 = arith.constant 96 : i32
    %add3A_348 = vector.broadcast %add3A_347 : i32 to vector<16xi32>
    %add3A_349 = arith.addi %mul3A_6, %add3A_348 : vector<16xi32>
    %gather3A_350 = tpu.vector_load_idx %arg7[%add3A_349] : memref<1280xf32, #tpu.memory_space<vmem>>[vector<16xi32>], vector<16xf32>,
    %swap3A_351 = arith.constant 48 : index
    %swap3A_352 = tpu.vector_load %arg8[%swap3A_351] {strides = array<i32>} : memref<640xf32, #tpu.memory_space<vmem>>, vector<16xf32>,
    tpu.vector_store %arg8[%swap3A_351], %gather3A_350 {strides = array<i32>} : memref<640xf32, #tpu.memory_space<vmem>>, vector<16xf32>,
    %add3A_353 = arith.constant 1 : i32
    %add3A_354 = vector.broadcast %add3A_353 : i32 to vector<16xi32>
    %add3A_355 = arith.addi %add3A_349, %add3A_354 : vector<16xi32>
    %gather3A_356 = tpu.vector_load_idx %arg7[%add3A_355] : memref<1280xf32, #tpu.memory_space<vmem>>[vector<16xi32>], vector<16xf32>,
    %swap3A_357 = arith.constant 48 : index
    %swap3A_358 = tpu.vector_load %arg9[%swap3A_357] {strides = array<i32>} : memref<640xf32, #tpu.memory_space<vmem>>, vector<16xf32>,
    tpu.vector_store %arg9[%swap3A_357], %gather3A_356 {strides = array<i32>} : memref<640xf32, #tpu.memory_space<vmem>>, vector<16xf32>,
    %dma_wait3A_359 = arith.constant 1 : i32
    %dma_wait3A_360 = arith.constant 128 : i32
    %dma_wait3A_361 = tpu.memref_slice %arg7[%dma_wait3A_360] : memref<1280xf32, #tpu.memory_space<vmem>> -> memref<128xf32, #tpu.memory_space<vmem>>
    %dma_wait3A_362 = arith.constant 0 : i32
    %dma_wait3A_363 = tpu.memref_slice %arg6[%dma_wait3A_359, %dma_wait3A_362] : memref<10x128xi32, #tpu.memory_space<vmem>> -> memref<1x128xi32, #tpu.memory_space<vmem>>
    %dma_wait3A_364 = tpu.memref_squeeze %dma_wait3A_363 : memref<1x128xi32, #tpu.memory_space<vmem>> -> memref<128xi32, #tpu.memory_space<vmem>>
    %dma_wait3A_365 = arith.constant 0 : i32
    %dma_wait3A_366 = tpu.memref_slice %arg2[%dma_wait3A_365] : memref<262144xf32, #tpu.memory_space<hbm>> -> memref<262144xf32, #tpu.memory_space<hbm>>
    tpu.wait_indirect_dma semaphore(%arg21 : memref<!tpu.dma_semaphore, #tpu.memory_space<semaphore_mem>>) src(%dma_wait3A_366 : memref<262144xf32, #tpu.memory_space<hbm>>) dst(%dma_wait3A_361 : memref<128xf32, #tpu.memory_space<vmem>>)
    %add3A_367 = arith.constant 128 : i32
    %add3A_368 = vector.broadcast %add3A_367 : i32 to vector<16xi32>
    %add3A_369 = arith.addi %mul3A_6, %add3A_368 : vector<16xi32>
    %gather3A_370 = tpu.vector_load_idx %arg7[%add3A_369] : memref<1280xf32, #tpu.memory_space<vmem>>[vector<16xi32>], vector<16xf32>,
    %swap3A_371 = arith.constant 64 : index
    %swap3A_372 = tpu.vector_load %arg8[%swap3A_371] {strides = array<i32>} : memref<640xf32, #tpu.memory_space<vmem>>, vector<16xf32>,
    tpu.vector_store %arg8[%swap3A_371], %gather3A_370 {strides = array<i32>} : memref<640xf32, #tpu.memory_space<vmem>>, vector<16xf32>,
    %add3A_373 = arith.constant 1 : i32
    %add3A_374 = vector.broadcast %add3A_373 : i32 to vector<16xi32>
    %add3A_375 = arith.addi %add3A_369, %add3A_374 : vector<16xi32>
    %gather3A_376 = tpu.vector_load_idx %arg7[%add3A_375] : memref<1280xf32, #tpu.memory_space<vmem>>[vector<16xi32>], vector<16xf32>,
    %swap3A_377 = arith.constant 64 : index
    %swap3A_378 = tpu.vector_load %arg9[%swap3A_377] {strides = array<i32>} : memref<640xf32, #tpu.memory_space<vmem>>, vector<16xf32>,
    tpu.vector_store %arg9[%swap3A_377], %gather3A_376 {strides = array<i32>} : memref<640xf32, #tpu.memory_space<vmem>>, vector<16xf32>,
    %add3A_379 = arith.constant 160 : i32
    %add3A_380 = vector.broadcast %add3A_379 : i32 to vector<16xi32>
    %add3A_381 = arith.addi %mul3A_6, %add3A_380 : vector<16xi32>
    %gather3A_382 = tpu.vector_load_idx %arg7[%add3A_381] : memref<1280xf32, #tpu.memory_space<vmem>>[vector<16xi32>], vector<16xf32>,
    %swap3A_383 = arith.constant 80 : index
    %swap3A_384 = tpu.vector_load %arg8[%swap3A_383] {strides = array<i32>} : memref<640xf32, #tpu.memory_space<vmem>>, vector<16xf32>,
    tpu.vector_store %arg8[%swap3A_383], %gather3A_382 {strides = array<i32>} : memref<640xf32, #tpu.memory_space<vmem>>, vector<16xf32>,
    %add3A_385 = arith.constant 1 : i32
    %add3A_386 = vector.broadcast %add3A_385 : i32 to vector<16xi32>
    %add3A_387 = arith.addi %add3A_381, %add3A_386 : vector<16xi32>
    %gather3A_388 = tpu.vector_load_idx %arg7[%add3A_387] : memref<1280xf32, #tpu.memory_space<vmem>>[vector<16xi32>], vector<16xf32>,
    %swap3A_389 = arith.constant 80 : index
    %swap3A_390 = tpu.vector_load %arg9[%swap3A_389] {strides = array<i32>} : memref<640xf32, #tpu.memory_space<vmem>>, vector<16xf32>,
    tpu.vector_store %arg9[%swap3A_389], %gather3A_388 {strides = array<i32>} : memref<640xf32, #tpu.memory_space<vmem>>, vector<16xf32>,
    %add3A_391 = arith.constant 192 : i32
    %add3A_392 = vector.broadcast %add3A_391 : i32 to vector<16xi32>
    %add3A_393 = arith.addi %mul3A_6, %add3A_392 : vector<16xi32>
    %gather3A_394 = tpu.vector_load_idx %arg7[%add3A_393] : memref<1280xf32, #tpu.memory_space<vmem>>[vector<16xi32>], vector<16xf32>,
    %swap3A_395 = arith.constant 96 : index
    %swap3A_396 = tpu.vector_load %arg8[%swap3A_395] {strides = array<i32>} : memref<640xf32, #tpu.memory_space<vmem>>, vector<16xf32>,
    tpu.vector_store %arg8[%swap3A_395], %gather3A_394 {strides = array<i32>} : memref<640xf32, #tpu.memory_space<vmem>>, vector<16xf32>,
    %add3A_397 = arith.constant 1 : i32
    %add3A_398 = vector.broadcast %add3A_397 : i32 to vector<16xi32>
    %add3A_399 = arith.addi %add3A_393, %add3A_398 : vector<16xi32>
    %gather3A_400 = tpu.vector_load_idx %arg7[%add3A_399] : memref<1280xf32, #tpu.memory_space<vmem>>[vector<16xi32>], vector<16xf32>,
    %swap3A_401 = arith.constant 96 : index
    %swap3A_402 = tpu.vector_load %arg9[%swap3A_401] {strides = array<i32>} : memref<640xf32, #tpu.memory_space<vmem>>, vector<16xf32>,
    tpu.vector_store %arg9[%swap3A_401], %gather3A_400 {strides = array<i32>} : memref<640xf32, #tpu.memory_space<vmem>>, vector<16xf32>,
    %add3A_403 = arith.constant 224 : i32
    %add3A_404 = vector.broadcast %add3A_403 : i32 to vector<16xi32>
    %add3A_405 = arith.addi %mul3A_6, %add3A_404 : vector<16xi32>
    %gather3A_406 = tpu.vector_load_idx %arg7[%add3A_405] : memref<1280xf32, #tpu.memory_space<vmem>>[vector<16xi32>], vector<16xf32>,
    %swap3A_407 = arith.constant 112 : index
    %swap3A_408 = tpu.vector_load %arg8[%swap3A_407] {strides = array<i32>} : memref<640xf32, #tpu.memory_space<vmem>>, vector<16xf32>,
    tpu.vector_store %arg8[%swap3A_407], %gather3A_406 {strides = array<i32>} : memref<640xf32, #tpu.memory_space<vmem>>, vector<16xf32>,
    %add3A_409 = arith.constant 1 : i32
    %add3A_410 = vector.broadcast %add3A_409 : i32 to vector<16xi32>
    %add3A_411 = arith.addi %add3A_405, %add3A_410 : vector<16xi32>
    %gather3A_412 = tpu.vector_load_idx %arg7[%add3A_411] : memref<1280xf32, #tpu.memory_space<vmem>>[vector<16xi32>], vector<16xf32>,
    %swap3A_413 = arith.constant 112 : index
    %swap3A_414 = tpu.vector_load %arg9[%swap3A_413] {strides = array<i32>} : memref<640xf32, #tpu.memory_space<vmem>>, vector<16xf32>,
    tpu.vector_store %arg9[%swap3A_413], %gather3A_412 {strides = array<i32>} : memref<640xf32, #tpu.memory_space<vmem>>, vector<16xf32>,
    %dma_wait3A_415 = arith.constant 2 : i32
    %dma_wait3A_416 = arith.constant 256 : i32
    %dma_wait3A_417 = tpu.memref_slice %arg7[%dma_wait3A_416] : memref<1280xf32, #tpu.memory_space<vmem>> -> memref<128xf32, #tpu.memory_space<vmem>>
    %dma_wait3A_418 = arith.constant 0 : i32
    %dma_wait3A_419 = tpu.memref_slice %arg6[%dma_wait3A_415, %dma_wait3A_418] : memref<10x128xi32, #tpu.memory_space<vmem>> -> memref<1x128xi32, #tpu.memory_space<vmem>>
    %dma_wait3A_420 = tpu.memref_squeeze %dma_wait3A_419 : memref<1x128xi32, #tpu.memory_space<vmem>> -> memref<128xi32, #tpu.memory_space<vmem>>
    %dma_wait3A_421 = arith.constant 0 : i32
    %dma_wait3A_422 = tpu.memref_slice %arg2[%dma_wait3A_421] : memref<262144xf32, #tpu.memory_space<hbm>> -> memref<262144xf32, #tpu.memory_space<hbm>>
    tpu.wait_indirect_dma semaphore(%arg22 : memref<!tpu.dma_semaphore, #tpu.memory_space<semaphore_mem>>) src(%dma_wait3A_422 : memref<262144xf32, #tpu.memory_space<hbm>>) dst(%dma_wait3A_417 : memref<128xf32, #tpu.memory_space<vmem>>)
    %add3A_423 = arith.constant 256 : i32
    %add3A_424 = vector.broadcast %add3A_423 : i32 to vector<16xi32>
    %add3A_425 = arith.addi %mul3A_6, %add3A_424 : vector<16xi32>
    %gather3A_426 = tpu.vector_load_idx %arg7[%add3A_425] : memref<1280xf32, #tpu.memory_space<vmem>>[vector<16xi32>], vector<16xf32>,
    %swap3A_427 = arith.constant 128 : index
    %swap3A_428 = tpu.vector_load %arg8[%swap3A_427] {strides = array<i32>} : memref<640xf32, #tpu.memory_space<vmem>>, vector<16xf32>,
    tpu.vector_store %arg8[%swap3A_427], %gather3A_426 {strides = array<i32>} : memref<640xf32, #tpu.memory_space<vmem>>, vector<16xf32>,
    %add3A_429 = arith.constant 1 : i32
    %add3A_430 = vector.broadcast %add3A_429 : i32 to vector<16xi32>
    %add3A_431 = arith.addi %add3A_425, %add3A_430 : vector<16xi32>
    %gather3A_432 = tpu.vector_load_idx %arg7[%add3A_431] : memref<1280xf32, #tpu.memory_space<vmem>>[vector<16xi32>], vector<16xf32>,
    %swap3A_433 = arith.constant 128 : index
    %swap3A_434 = tpu.vector_load %arg9[%swap3A_433] {strides = array<i32>} : memref<640xf32, #tpu.memory_space<vmem>>, vector<16xf32>,
    tpu.vector_store %arg9[%swap3A_433], %gather3A_432 {strides = array<i32>} : memref<640xf32, #tpu.memory_space<vmem>>, vector<16xf32>,
    %add3A_435 = arith.constant 288 : i32
    %add3A_436 = vector.broadcast %add3A_435 : i32 to vector<16xi32>
    %add3A_437 = arith.addi %mul3A_6, %add3A_436 : vector<16xi32>
    %gather3A_438 = tpu.vector_load_idx %arg7[%add3A_437] : memref<1280xf32, #tpu.memory_space<vmem>>[vector<16xi32>], vector<16xf32>,
    %swap3A_439 = arith.constant 144 : index
    %swap3A_440 = tpu.vector_load %arg8[%swap3A_439] {strides = array<i32>} : memref<640xf32, #tpu.memory_space<vmem>>, vector<16xf32>,
    tpu.vector_store %arg8[%swap3A_439], %gather3A_438 {strides = array<i32>} : memref<640xf32, #tpu.memory_space<vmem>>, vector<16xf32>,
    %add3A_441 = arith.constant 1 : i32
    %add3A_442 = vector.broadcast %add3A_441 : i32 to vector<16xi32>
    %add3A_443 = arith.addi %add3A_437, %add3A_442 : vector<16xi32>
    %gather3A_444 = tpu.vector_load_idx %arg7[%add3A_443] : memref<1280xf32, #tpu.memory_space<vmem>>[vector<16xi32>], vector<16xf32>,
    %swap3A_445 = arith.constant 144 : index
    %swap3A_446 = tpu.vector_load %arg9[%swap3A_445] {strides = array<i32>} : memref<640xf32, #tpu.memory_space<vmem>>, vector<16xf32>,
    tpu.vector_store %arg9[%swap3A_445], %gather3A_444 {strides = array<i32>} : memref<640xf32, #tpu.memory_space<vmem>>, vector<16xf32>,
    %add3A_447 = arith.constant 320 : i32
    %add3A_448 = vector.broadcast %add3A_447 : i32 to vector<16xi32>
    %add3A_449 = arith.addi %mul3A_6, %add3A_448 : vector<16xi32>
    %gather3A_450 = tpu.vector_load_idx %arg7[%add3A_449] : memref<1280xf32, #tpu.memory_space<vmem>>[vector<16xi32>], vector<16xf32>,
    %swap3A_451 = arith.constant 160 : index
    %swap3A_452 = tpu.vector_load %arg8[%swap3A_451] {strides = array<i32>} : memref<640xf32, #tpu.memory_space<vmem>>, vector<16xf32>,
    tpu.vector_store %arg8[%swap3A_451], %gather3A_450 {strides = array<i32>} : memref<640xf32, #tpu.memory_space<vmem>>, vector<16xf32>,
    %add3A_453 = arith.constant 1 : i32
    %add3A_454 = vector.broadcast %add3A_453 : i32 to vector<16xi32>
    %add3A_455 = arith.addi %add3A_449, %add3A_454 : vector<16xi32>
    %gather3A_456 = tpu.vector_load_idx %arg7[%add3A_455] : memref<1280xf32, #tpu.memory_space<vmem>>[vector<16xi32>], vector<16xf32>,
    %swap3A_457 = arith.constant 160 : index
    %swap3A_458 = tpu.vector_load %arg9[%swap3A_457] {strides = array<i32>} : memref<640xf32, #tpu.memory_space<vmem>>, vector<16xf32>,
    tpu.vector_store %arg9[%swap3A_457], %gather3A_456 {strides = array<i32>} : memref<640xf32, #tpu.memory_space<vmem>>, vector<16xf32>,
    %add3A_459 = arith.constant 352 : i32
    %add3A_460 = vector.broadcast %add3A_459 : i32 to vector<16xi32>
    %add3A_461 = arith.addi %mul3A_6, %add3A_460 : vector<16xi32>
    %gather3A_462 = tpu.vector_load_idx %arg7[%add3A_461] : memref<1280xf32, #tpu.memory_space<vmem>>[vector<16xi32>], vector<16xf32>,
    %swap3A_463 = arith.constant 176 : index
    %swap3A_464 = tpu.vector_load %arg8[%swap3A_463] {strides = array<i32>} : memref<640xf32, #tpu.memory_space<vmem>>, vector<16xf32>,
    tpu.vector_store %arg8[%swap3A_463], %gather3A_462 {strides = array<i32>} : memref<640xf32, #tpu.memory_space<vmem>>, vector<16xf32>,
    %add3A_465 = arith.constant 1 : i32
    %add3A_466 = vector.broadcast %add3A_465 : i32 to vector<16xi32>
    %add3A_467 = arith.addi %add3A_461, %add3A_466 : vector<16xi32>
    %gather3A_468 = tpu.vector_load_idx %arg7[%add3A_467] : memref<1280xf32, #tpu.memory_space<vmem>>[vector<16xi32>], vector<16xf32>,
    %swap3A_469 = arith.constant 176 : index
    %swap3A_470 = tpu.vector_load %arg9[%swap3A_469] {strides = array<i32>} : memref<640xf32, #tpu.memory_space<vmem>>, vector<16xf32>,
    tpu.vector_store %arg9[%swap3A_469], %gather3A_468 {strides = array<i32>} : memref<640xf32, #tpu.memory_space<vmem>>, vector<16xf32>,
    %dma_wait3A_471 = arith.constant 3 : i32
    %dma_wait3A_472 = arith.constant 384 : i32
    %dma_wait3A_473 = tpu.memref_slice %arg7[%dma_wait3A_472] : memref<1280xf32, #tpu.memory_space<vmem>> -> memref<128xf32, #tpu.memory_space<vmem>>
    %dma_wait3A_474 = arith.constant 0 : i32
    %dma_wait3A_475 = tpu.memref_slice %arg6[%dma_wait3A_471, %dma_wait3A_474] : memref<10x128xi32, #tpu.memory_space<vmem>> -> memref<1x128xi32, #tpu.memory_space<vmem>>
    %dma_wait3A_476 = tpu.memref_squeeze %dma_wait3A_475 : memref<1x128xi32, #tpu.memory_space<vmem>> -> memref<128xi32, #tpu.memory_space<vmem>>
    %dma_wait3A_477 = arith.constant 0 : i32
    %dma_wait3A_478 = tpu.memref_slice %arg2[%dma_wait3A_477] : memref<262144xf32, #tpu.memory_space<hbm>> -> memref<262144xf32, #tpu.memory_space<hbm>>
    tpu.wait_indirect_dma semaphore(%arg23 : memref<!tpu.dma_semaphore, #tpu.memory_space<semaphore_mem>>) src(%dma_wait3A_478 : memref<262144xf32, #tpu.memory_space<hbm>>) dst(%dma_wait3A_473 : memref<128xf32, #tpu.memory_space<vmem>>)
    %add3A_479 = arith.constant 384 : i32
    %add3A_480 = vector.broadcast %add3A_479 : i32 to vector<16xi32>
    %add3A_481 = arith.addi %mul3A_6, %add3A_480 : vector<16xi32>
    %gather3A_482 = tpu.vector_load_idx %arg7[%add3A_481] : memref<1280xf32, #tpu.memory_space<vmem>>[vector<16xi32>], vector<16xf32>,
    %swap3A_483 = arith.constant 192 : index
    %swap3A_484 = tpu.vector_load %arg8[%swap3A_483] {strides = array<i32>} : memref<640xf32, #tpu.memory_space<vmem>>, vector<16xf32>,
    tpu.vector_store %arg8[%swap3A_483], %gather3A_482 {strides = array<i32>} : memref<640xf32, #tpu.memory_space<vmem>>, vector<16xf32>,
    %add3A_485 = arith.constant 1 : i32
    %add3A_486 = vector.broadcast %add3A_485 : i32 to vector<16xi32>
    %add3A_487 = arith.addi %add3A_481, %add3A_486 : vector<16xi32>
    %gather3A_488 = tpu.vector_load_idx %arg7[%add3A_487] : memref<1280xf32, #tpu.memory_space<vmem>>[vector<16xi32>], vector<16xf32>,
    %swap3A_489 = arith.constant 192 : index
    %swap3A_490 = tpu.vector_load %arg9[%swap3A_489] {strides = array<i32>} : memref<640xf32, #tpu.memory_space<vmem>>, vector<16xf32>,
    tpu.vector_store %arg9[%swap3A_489], %gather3A_488 {strides = array<i32>} : memref<640xf32, #tpu.memory_space<vmem>>, vector<16xf32>,
    %add3A_491 = arith.constant 416 : i32
    %add3A_492 = vector.broadcast %add3A_491 : i32 to vector<16xi32>
    %add3A_493 = arith.addi %mul3A_6, %add3A_492 : vector<16xi32>
    %gather3A_494 = tpu.vector_load_idx %arg7[%add3A_493] : memref<1280xf32, #tpu.memory_space<vmem>>[vector<16xi32>], vector<16xf32>,
    %swap3A_495 = arith.constant 208 : index
    %swap3A_496 = tpu.vector_load %arg8[%swap3A_495] {strides = array<i32>} : memref<640xf32, #tpu.memory_space<vmem>>, vector<16xf32>,
    tpu.vector_store %arg8[%swap3A_495], %gather3A_494 {strides = array<i32>} : memref<640xf32, #tpu.memory_space<vmem>>, vector<16xf32>,
    %add3A_497 = arith.constant 1 : i32
    %add3A_498 = vector.broadcast %add3A_497 : i32 to vector<16xi32>
    %add3A_499 = arith.addi %add3A_493, %add3A_498 : vector<16xi32>
    %gather3A_500 = tpu.vector_load_idx %arg7[%add3A_499] : memref<1280xf32, #tpu.memory_space<vmem>>[vector<16xi32>], vector<16xf32>,
    %swap3A_501 = arith.constant 208 : index
    %swap3A_502 = tpu.vector_load %arg9[%swap3A_501] {strides = array<i32>} : memref<640xf32, #tpu.memory_space<vmem>>, vector<16xf32>,
    tpu.vector_store %arg9[%swap3A_501], %gather3A_500 {strides = array<i32>} : memref<640xf32, #tpu.memory_space<vmem>>, vector<16xf32>,
    %add3A_503 = arith.constant 448 : i32
    %add3A_504 = vector.broadcast %add3A_503 : i32 to vector<16xi32>
    %add3A_505 = arith.addi %mul3A_6, %add3A_504 : vector<16xi32>
    %gather3A_506 = tpu.vector_load_idx %arg7[%add3A_505] : memref<1280xf32, #tpu.memory_space<vmem>>[vector<16xi32>], vector<16xf32>,
    %swap3A_507 = arith.constant 224 : index
    %swap3A_508 = tpu.vector_load %arg8[%swap3A_507] {strides = array<i32>} : memref<640xf32, #tpu.memory_space<vmem>>, vector<16xf32>,
    tpu.vector_store %arg8[%swap3A_507], %gather3A_506 {strides = array<i32>} : memref<640xf32, #tpu.memory_space<vmem>>, vector<16xf32>,
    %add3A_509 = arith.constant 1 : i32
    %add3A_510 = vector.broadcast %add3A_509 : i32 to vector<16xi32>
    %add3A_511 = arith.addi %add3A_505, %add3A_510 : vector<16xi32>
    %gather3A_512 = tpu.vector_load_idx %arg7[%add3A_511] : memref<1280xf32, #tpu.memory_space<vmem>>[vector<16xi32>], vector<16xf32>,
    %swap3A_513 = arith.constant 224 : index
    %swap3A_514 = tpu.vector_load %arg9[%swap3A_513] {strides = array<i32>} : memref<640xf32, #tpu.memory_space<vmem>>, vector<16xf32>,
    tpu.vector_store %arg9[%swap3A_513], %gather3A_512 {strides = array<i32>} : memref<640xf32, #tpu.memory_space<vmem>>, vector<16xf32>,
    %add3A_515 = arith.constant 480 : i32
    %add3A_516 = vector.broadcast %add3A_515 : i32 to vector<16xi32>
    %add3A_517 = arith.addi %mul3A_6, %add3A_516 : vector<16xi32>
    %gather3A_518 = tpu.vector_load_idx %arg7[%add3A_517] : memref<1280xf32, #tpu.memory_space<vmem>>[vector<16xi32>], vector<16xf32>,
    %swap3A_519 = arith.constant 240 : index
    %swap3A_520 = tpu.vector_load %arg8[%swap3A_519] {strides = array<i32>} : memref<640xf32, #tpu.memory_space<vmem>>, vector<16xf32>,
    tpu.vector_store %arg8[%swap3A_519], %gather3A_518 {strides = array<i32>} : memref<640xf32, #tpu.memory_space<vmem>>, vector<16xf32>,
    %add3A_521 = arith.constant 1 : i32
    %add3A_522 = vector.broadcast %add3A_521 : i32 to vector<16xi32>
    %add3A_523 = arith.addi %add3A_517, %add3A_522 : vector<16xi32>
    %gather3A_524 = tpu.vector_load_idx %arg7[%add3A_523] : memref<1280xf32, #tpu.memory_space<vmem>>[vector<16xi32>], vector<16xf32>,
    %swap3A_525 = arith.constant 240 : index
    %swap3A_526 = tpu.vector_load %arg9[%swap3A_525] {strides = array<i32>} : memref<640xf32, #tpu.memory_space<vmem>>, vector<16xf32>,
    tpu.vector_store %arg9[%swap3A_525], %gather3A_524 {strides = array<i32>} : memref<640xf32, #tpu.memory_space<vmem>>, vector<16xf32>,
    %dma_wait3A_527 = arith.constant 4 : i32
    %dma_wait3A_528 = arith.constant 512 : i32
    %dma_wait3A_529 = tpu.memref_slice %arg7[%dma_wait3A_528] : memref<1280xf32, #tpu.memory_space<vmem>> -> memref<128xf32, #tpu.memory_space<vmem>>
    %dma_wait3A_530 = arith.constant 0 : i32
    %dma_wait3A_531 = tpu.memref_slice %arg6[%dma_wait3A_527, %dma_wait3A_530] : memref<10x128xi32, #tpu.memory_space<vmem>> -> memref<1x128xi32, #tpu.memory_space<vmem>>
    %dma_wait3A_532 = tpu.memref_squeeze %dma_wait3A_531 : memref<1x128xi32, #tpu.memory_space<vmem>> -> memref<128xi32, #tpu.memory_space<vmem>>
    %dma_wait3A_533 = arith.constant 0 : i32
    %dma_wait3A_534 = tpu.memref_slice %arg2[%dma_wait3A_533] : memref<262144xf32, #tpu.memory_space<hbm>> -> memref<262144xf32, #tpu.memory_space<hbm>>
    tpu.wait_indirect_dma semaphore(%arg24 : memref<!tpu.dma_semaphore, #tpu.memory_space<semaphore_mem>>) src(%dma_wait3A_534 : memref<262144xf32, #tpu.memory_space<hbm>>) dst(%dma_wait3A_529 : memref<128xf32, #tpu.memory_space<vmem>>)
    %add3A_535 = arith.constant 512 : i32
    %add3A_536 = vector.broadcast %add3A_535 : i32 to vector<16xi32>
    %add3A_537 = arith.addi %mul3A_6, %add3A_536 : vector<16xi32>
    %gather3A_538 = tpu.vector_load_idx %arg7[%add3A_537] : memref<1280xf32, #tpu.memory_space<vmem>>[vector<16xi32>], vector<16xf32>,
    %swap3A_539 = arith.constant 256 : index
    %swap3A_540 = tpu.vector_load %arg8[%swap3A_539] {strides = array<i32>} : memref<640xf32, #tpu.memory_space<vmem>>, vector<16xf32>,
    tpu.vector_store %arg8[%swap3A_539], %gather3A_538 {strides = array<i32>} : memref<640xf32, #tpu.memory_space<vmem>>, vector<16xf32>,
    %add3A_541 = arith.constant 1 : i32
    %add3A_542 = vector.broadcast %add3A_541 : i32 to vector<16xi32>
    %add3A_543 = arith.addi %add3A_537, %add3A_542 : vector<16xi32>
    %gather3A_544 = tpu.vector_load_idx %arg7[%add3A_543] : memref<1280xf32, #tpu.memory_space<vmem>>[vector<16xi32>], vector<16xf32>,
    %swap3A_545 = arith.constant 256 : index
    %swap3A_546 = tpu.vector_load %arg9[%swap3A_545] {strides = array<i32>} : memref<640xf32, #tpu.memory_space<vmem>>, vector<16xf32>,
    tpu.vector_store %arg9[%swap3A_545], %gather3A_544 {strides = array<i32>} : memref<640xf32, #tpu.memory_space<vmem>>, vector<16xf32>,
    %add3A_547 = arith.constant 544 : i32
    %add3A_548 = vector.broadcast %add3A_547 : i32 to vector<16xi32>
    %add3A_549 = arith.addi %mul3A_6, %add3A_548 : vector<16xi32>
    %gather3A_550 = tpu.vector_load_idx %arg7[%add3A_549] : memref<1280xf32, #tpu.memory_space<vmem>>[vector<16xi32>], vector<16xf32>,
    %swap3A_551 = arith.constant 272 : index
    %swap3A_552 = tpu.vector_load %arg8[%swap3A_551] {strides = array<i32>} : memref<640xf32, #tpu.memory_space<vmem>>, vector<16xf32>,
    tpu.vector_store %arg8[%swap3A_551], %gather3A_550 {strides = array<i32>} : memref<640xf32, #tpu.memory_space<vmem>>, vector<16xf32>,
    %add3A_553 = arith.constant 1 : i32
    %add3A_554 = vector.broadcast %add3A_553 : i32 to vector<16xi32>
    %add3A_555 = arith.addi %add3A_549, %add3A_554 : vector<16xi32>
    %gather3A_556 = tpu.vector_load_idx %arg7[%add3A_555] : memref<1280xf32, #tpu.memory_space<vmem>>[vector<16xi32>], vector<16xf32>,
    %swap3A_557 = arith.constant 272 : index
    %swap3A_558 = tpu.vector_load %arg9[%swap3A_557] {strides = array<i32>} : memref<640xf32, #tpu.memory_space<vmem>>, vector<16xf32>,
    tpu.vector_store %arg9[%swap3A_557], %gather3A_556 {strides = array<i32>} : memref<640xf32, #tpu.memory_space<vmem>>, vector<16xf32>,
    %add3A_559 = arith.constant 576 : i32
    %add3A_560 = vector.broadcast %add3A_559 : i32 to vector<16xi32>
    %add3A_561 = arith.addi %mul3A_6, %add3A_560 : vector<16xi32>
    %gather3A_562 = tpu.vector_load_idx %arg7[%add3A_561] : memref<1280xf32, #tpu.memory_space<vmem>>[vector<16xi32>], vector<16xf32>,
    %swap3A_563 = arith.constant 288 : index
    %swap3A_564 = tpu.vector_load %arg8[%swap3A_563] {strides = array<i32>} : memref<640xf32, #tpu.memory_space<vmem>>, vector<16xf32>,
    tpu.vector_store %arg8[%swap3A_563], %gather3A_562 {strides = array<i32>} : memref<640xf32, #tpu.memory_space<vmem>>, vector<16xf32>,
    %add3A_565 = arith.constant 1 : i32
    %add3A_566 = vector.broadcast %add3A_565 : i32 to vector<16xi32>
    %add3A_567 = arith.addi %add3A_561, %add3A_566 : vector<16xi32>
    %gather3A_568 = tpu.vector_load_idx %arg7[%add3A_567] : memref<1280xf32, #tpu.memory_space<vmem>>[vector<16xi32>], vector<16xf32>,
    %swap3A_569 = arith.constant 288 : index
    %swap3A_570 = tpu.vector_load %arg9[%swap3A_569] {strides = array<i32>} : memref<640xf32, #tpu.memory_space<vmem>>, vector<16xf32>,
    tpu.vector_store %arg9[%swap3A_569], %gather3A_568 {strides = array<i32>} : memref<640xf32, #tpu.memory_space<vmem>>, vector<16xf32>,
    %add3A_571 = arith.constant 608 : i32
    %add3A_572 = vector.broadcast %add3A_571 : i32 to vector<16xi32>
    %add3A_573 = arith.addi %mul3A_6, %add3A_572 : vector<16xi32>
    %gather3A_574 = tpu.vector_load_idx %arg7[%add3A_573] : memref<1280xf32, #tpu.memory_space<vmem>>[vector<16xi32>], vector<16xf32>,
    %swap3A_575 = arith.constant 304 : index
    %swap3A_576 = tpu.vector_load %arg8[%swap3A_575] {strides = array<i32>} : memref<640xf32, #tpu.memory_space<vmem>>, vector<16xf32>,
    tpu.vector_store %arg8[%swap3A_575], %gather3A_574 {strides = array<i32>} : memref<640xf32, #tpu.memory_space<vmem>>, vector<16xf32>,
    %add3A_577 = arith.constant 1 : i32
    %add3A_578 = vector.broadcast %add3A_577 : i32 to vector<16xi32>
    %add3A_579 = arith.addi %add3A_573, %add3A_578 : vector<16xi32>
    %gather3A_580 = tpu.vector_load_idx %arg7[%add3A_579] : memref<1280xf32, #tpu.memory_space<vmem>>[vector<16xi32>], vector<16xf32>,
    %swap3A_581 = arith.constant 304 : index
    %swap3A_582 = tpu.vector_load %arg9[%swap3A_581] {strides = array<i32>} : memref<640xf32, #tpu.memory_space<vmem>>, vector<16xf32>,
    tpu.vector_store %arg9[%swap3A_581], %gather3A_580 {strides = array<i32>} : memref<640xf32, #tpu.memory_space<vmem>>, vector<16xf32>,
    %dma_wait3A_583 = arith.constant 5 : i32
    %dma_wait3A_584 = arith.constant 640 : i32
    %dma_wait3A_585 = tpu.memref_slice %arg7[%dma_wait3A_584] : memref<1280xf32, #tpu.memory_space<vmem>> -> memref<128xf32, #tpu.memory_space<vmem>>
    %dma_wait3A_586 = arith.constant 0 : i32
    %dma_wait3A_587 = tpu.memref_slice %arg6[%dma_wait3A_583, %dma_wait3A_586] : memref<10x128xi32, #tpu.memory_space<vmem>> -> memref<1x128xi32, #tpu.memory_space<vmem>>
    %dma_wait3A_588 = tpu.memref_squeeze %dma_wait3A_587 : memref<1x128xi32, #tpu.memory_space<vmem>> -> memref<128xi32, #tpu.memory_space<vmem>>
    %dma_wait3A_589 = arith.constant 0 : i32
    %dma_wait3A_590 = tpu.memref_slice %arg2[%dma_wait3A_589] : memref<262144xf32, #tpu.memory_space<hbm>> -> memref<262144xf32, #tpu.memory_space<hbm>>
    tpu.wait_indirect_dma semaphore(%arg25 : memref<!tpu.dma_semaphore, #tpu.memory_space<semaphore_mem>>) src(%dma_wait3A_590 : memref<262144xf32, #tpu.memory_space<hbm>>) dst(%dma_wait3A_585 : memref<128xf32, #tpu.memory_space<vmem>>)
    %add3A_591 = arith.constant 640 : i32
    %add3A_592 = vector.broadcast %add3A_591 : i32 to vector<16xi32>
    %add3A_593 = arith.addi %mul3A_6, %add3A_592 : vector<16xi32>
    %gather3A_594 = tpu.vector_load_idx %arg7[%add3A_593] : memref<1280xf32, #tpu.memory_space<vmem>>[vector<16xi32>], vector<16xf32>,
    %swap3A_595 = arith.constant 320 : index
    %swap3A_596 = tpu.vector_load %arg8[%swap3A_595] {strides = array<i32>} : memref<640xf32, #tpu.memory_space<vmem>>, vector<16xf32>,
    tpu.vector_store %arg8[%swap3A_595], %gather3A_594 {strides = array<i32>} : memref<640xf32, #tpu.memory_space<vmem>>, vector<16xf32>,
    %add3A_597 = arith.constant 1 : i32
    %add3A_598 = vector.broadcast %add3A_597 : i32 to vector<16xi32>
    %add3A_599 = arith.addi %add3A_593, %add3A_598 : vector<16xi32>
    %gather3A_600 = tpu.vector_load_idx %arg7[%add3A_599] : memref<1280xf32, #tpu.memory_space<vmem>>[vector<16xi32>], vector<16xf32>,
    %swap3A_601 = arith.constant 320 : index
    %swap3A_602 = tpu.vector_load %arg9[%swap3A_601] {strides = array<i32>} : memref<640xf32, #tpu.memory_space<vmem>>, vector<16xf32>,
    tpu.vector_store %arg9[%swap3A_601], %gather3A_600 {strides = array<i32>} : memref<640xf32, #tpu.memory_space<vmem>>, vector<16xf32>,
    %add3A_603 = arith.constant 672 : i32
    %add3A_604 = vector.broadcast %add3A_603 : i32 to vector<16xi32>
    %add3A_605 = arith.addi %mul3A_6, %add3A_604 : vector<16xi32>
    %gather3A_606 = tpu.vector_load_idx %arg7[%add3A_605] : memref<1280xf32, #tpu.memory_space<vmem>>[vector<16xi32>], vector<16xf32>,
    %swap3A_607 = arith.constant 336 : index
    %swap3A_608 = tpu.vector_load %arg8[%swap3A_607] {strides = array<i32>} : memref<640xf32, #tpu.memory_space<vmem>>, vector<16xf32>,
    tpu.vector_store %arg8[%swap3A_607], %gather3A_606 {strides = array<i32>} : memref<640xf32, #tpu.memory_space<vmem>>, vector<16xf32>,
    %add3A_609 = arith.constant 1 : i32
    %add3A_610 = vector.broadcast %add3A_609 : i32 to vector<16xi32>
    %add3A_611 = arith.addi %add3A_605, %add3A_610 : vector<16xi32>
    %gather3A_612 = tpu.vector_load_idx %arg7[%add3A_611] : memref<1280xf32, #tpu.memory_space<vmem>>[vector<16xi32>], vector<16xf32>,
    %swap3A_613 = arith.constant 336 : index
    %swap3A_614 = tpu.vector_load %arg9[%swap3A_613] {strides = array<i32>} : memref<640xf32, #tpu.memory_space<vmem>>, vector<16xf32>,
    tpu.vector_store %arg9[%swap3A_613], %gather3A_612 {strides = array<i32>} : memref<640xf32, #tpu.memory_space<vmem>>, vector<16xf32>,
    %add3A_615 = arith.constant 704 : i32
    %add3A_616 = vector.broadcast %add3A_615 : i32 to vector<16xi32>
    %add3A_617 = arith.addi %mul3A_6, %add3A_616 : vector<16xi32>
    %gather3A_618 = tpu.vector_load_idx %arg7[%add3A_617] : memref<1280xf32, #tpu.memory_space<vmem>>[vector<16xi32>], vector<16xf32>,
    %swap3A_619 = arith.constant 352 : index
    %swap3A_620 = tpu.vector_load %arg8[%swap3A_619] {strides = array<i32>} : memref<640xf32, #tpu.memory_space<vmem>>, vector<16xf32>,
    tpu.vector_store %arg8[%swap3A_619], %gather3A_618 {strides = array<i32>} : memref<640xf32, #tpu.memory_space<vmem>>, vector<16xf32>,
    %add3A_621 = arith.constant 1 : i32
    %add3A_622 = vector.broadcast %add3A_621 : i32 to vector<16xi32>
    %add3A_623 = arith.addi %add3A_617, %add3A_622 : vector<16xi32>
    %gather3A_624 = tpu.vector_load_idx %arg7[%add3A_623] : memref<1280xf32, #tpu.memory_space<vmem>>[vector<16xi32>], vector<16xf32>,
    %swap3A_625 = arith.constant 352 : index
    %swap3A_626 = tpu.vector_load %arg9[%swap3A_625] {strides = array<i32>} : memref<640xf32, #tpu.memory_space<vmem>>, vector<16xf32>,
    tpu.vector_store %arg9[%swap3A_625], %gather3A_624 {strides = array<i32>} : memref<640xf32, #tpu.memory_space<vmem>>, vector<16xf32>,
    %add3A_627 = arith.constant 736 : i32
    %add3A_628 = vector.broadcast %add3A_627 : i32 to vector<16xi32>
    %add3A_629 = arith.addi %mul3A_6, %add3A_628 : vector<16xi32>
    %gather3A_630 = tpu.vector_load_idx %arg7[%add3A_629] : memref<1280xf32, #tpu.memory_space<vmem>>[vector<16xi32>], vector<16xf32>,
    %swap3A_631 = arith.constant 368 : index
    %swap3A_632 = tpu.vector_load %arg8[%swap3A_631] {strides = array<i32>} : memref<640xf32, #tpu.memory_space<vmem>>, vector<16xf32>,
    tpu.vector_store %arg8[%swap3A_631], %gather3A_630 {strides = array<i32>} : memref<640xf32, #tpu.memory_space<vmem>>, vector<16xf32>,
    %add3A_633 = arith.constant 1 : i32
    %add3A_634 = vector.broadcast %add3A_633 : i32 to vector<16xi32>
    %add3A_635 = arith.addi %add3A_629, %add3A_634 : vector<16xi32>
    %gather3A_636 = tpu.vector_load_idx %arg7[%add3A_635] : memref<1280xf32, #tpu.memory_space<vmem>>[vector<16xi32>], vector<16xf32>,
    %swap3A_637 = arith.constant 368 : index
    %swap3A_638 = tpu.vector_load %arg9[%swap3A_637] {strides = array<i32>} : memref<640xf32, #tpu.memory_space<vmem>>, vector<16xf32>,
    tpu.vector_store %arg9[%swap3A_637], %gather3A_636 {strides = array<i32>} : memref<640xf32, #tpu.memory_space<vmem>>, vector<16xf32>,
    %dma_wait3A_639 = arith.constant 6 : i32
    %dma_wait3A_640 = arith.constant 768 : i32
    %dma_wait3A_641 = tpu.memref_slice %arg7[%dma_wait3A_640] : memref<1280xf32, #tpu.memory_space<vmem>> -> memref<128xf32, #tpu.memory_space<vmem>>
    %dma_wait3A_642 = arith.constant 0 : i32
    %dma_wait3A_643 = tpu.memref_slice %arg6[%dma_wait3A_639, %dma_wait3A_642] : memref<10x128xi32, #tpu.memory_space<vmem>> -> memref<1x128xi32, #tpu.memory_space<vmem>>
    %dma_wait3A_644 = tpu.memref_squeeze %dma_wait3A_643 : memref<1x128xi32, #tpu.memory_space<vmem>> -> memref<128xi32, #tpu.memory_space<vmem>>
    %dma_wait3A_645 = arith.constant 0 : i32
    %dma_wait3A_646 = tpu.memref_slice %arg2[%dma_wait3A_645] : memref<262144xf32, #tpu.memory_space<hbm>> -> memref<262144xf32, #tpu.memory_space<hbm>>
    tpu.wait_indirect_dma semaphore(%arg26 : memref<!tpu.dma_semaphore, #tpu.memory_space<semaphore_mem>>) src(%dma_wait3A_646 : memref<262144xf32, #tpu.memory_space<hbm>>) dst(%dma_wait3A_641 : memref<128xf32, #tpu.memory_space<vmem>>)
    %add3A_647 = arith.constant 768 : i32
    %add3A_648 = vector.broadcast %add3A_647 : i32 to vector<16xi32>
    %add3A_649 = arith.addi %mul3A_6, %add3A_648 : vector<16xi32>
    %gather3A_650 = tpu.vector_load_idx %arg7[%add3A_649] : memref<1280xf32, #tpu.memory_space<vmem>>[vector<16xi32>], vector<16xf32>,
    %swap3A_651 = arith.constant 384 : index
    %swap3A_652 = tpu.vector_load %arg8[%swap3A_651] {strides = array<i32>} : memref<640xf32, #tpu.memory_space<vmem>>, vector<16xf32>,
    tpu.vector_store %arg8[%swap3A_651], %gather3A_650 {strides = array<i32>} : memref<640xf32, #tpu.memory_space<vmem>>, vector<16xf32>,
    %add3A_653 = arith.constant 1 : i32
    %add3A_654 = vector.broadcast %add3A_653 : i32 to vector<16xi32>
    %add3A_655 = arith.addi %add3A_649, %add3A_654 : vector<16xi32>
    %gather3A_656 = tpu.vector_load_idx %arg7[%add3A_655] : memref<1280xf32, #tpu.memory_space<vmem>>[vector<16xi32>], vector<16xf32>,
    %swap3A_657 = arith.constant 384 : index
    %swap3A_658 = tpu.vector_load %arg9[%swap3A_657] {strides = array<i32>} : memref<640xf32, #tpu.memory_space<vmem>>, vector<16xf32>,
    tpu.vector_store %arg9[%swap3A_657], %gather3A_656 {strides = array<i32>} : memref<640xf32, #tpu.memory_space<vmem>>, vector<16xf32>,
    %add3A_659 = arith.constant 800 : i32
    %add3A_660 = vector.broadcast %add3A_659 : i32 to vector<16xi32>
    %add3A_661 = arith.addi %mul3A_6, %add3A_660 : vector<16xi32>
    %gather3A_662 = tpu.vector_load_idx %arg7[%add3A_661] : memref<1280xf32, #tpu.memory_space<vmem>>[vector<16xi32>], vector<16xf32>,
    %swap3A_663 = arith.constant 400 : index
    %swap3A_664 = tpu.vector_load %arg8[%swap3A_663] {strides = array<i32>} : memref<640xf32, #tpu.memory_space<vmem>>, vector<16xf32>,
    tpu.vector_store %arg8[%swap3A_663], %gather3A_662 {strides = array<i32>} : memref<640xf32, #tpu.memory_space<vmem>>, vector<16xf32>,
    %add3A_665 = arith.constant 1 : i32
    %add3A_666 = vector.broadcast %add3A_665 : i32 to vector<16xi32>
    %add3A_667 = arith.addi %add3A_661, %add3A_666 : vector<16xi32>
    %gather3A_668 = tpu.vector_load_idx %arg7[%add3A_667] : memref<1280xf32, #tpu.memory_space<vmem>>[vector<16xi32>], vector<16xf32>,
    %swap3A_669 = arith.constant 400 : index
    %swap3A_670 = tpu.vector_load %arg9[%swap3A_669] {strides = array<i32>} : memref<640xf32, #tpu.memory_space<vmem>>, vector<16xf32>,
    tpu.vector_store %arg9[%swap3A_669], %gather3A_668 {strides = array<i32>} : memref<640xf32, #tpu.memory_space<vmem>>, vector<16xf32>,
    %add3A_671 = arith.constant 832 : i32
    %add3A_672 = vector.broadcast %add3A_671 : i32 to vector<16xi32>
    %add3A_673 = arith.addi %mul3A_6, %add3A_672 : vector<16xi32>
    %gather3A_674 = tpu.vector_load_idx %arg7[%add3A_673] : memref<1280xf32, #tpu.memory_space<vmem>>[vector<16xi32>], vector<16xf32>,
    %swap3A_675 = arith.constant 416 : index
    %swap3A_676 = tpu.vector_load %arg8[%swap3A_675] {strides = array<i32>} : memref<640xf32, #tpu.memory_space<vmem>>, vector<16xf32>,
    tpu.vector_store %arg8[%swap3A_675], %gather3A_674 {strides = array<i32>} : memref<640xf32, #tpu.memory_space<vmem>>, vector<16xf32>,
    %add3A_677 = arith.constant 1 : i32
    %add3A_678 = vector.broadcast %add3A_677 : i32 to vector<16xi32>
    %add3A_679 = arith.addi %add3A_673, %add3A_678 : vector<16xi32>
    %gather3A_680 = tpu.vector_load_idx %arg7[%add3A_679] : memref<1280xf32, #tpu.memory_space<vmem>>[vector<16xi32>], vector<16xf32>,
    %swap3A_681 = arith.constant 416 : index
    %swap3A_682 = tpu.vector_load %arg9[%swap3A_681] {strides = array<i32>} : memref<640xf32, #tpu.memory_space<vmem>>, vector<16xf32>,
    tpu.vector_store %arg9[%swap3A_681], %gather3A_680 {strides = array<i32>} : memref<640xf32, #tpu.memory_space<vmem>>, vector<16xf32>,
    %add3A_683 = arith.constant 864 : i32
    %add3A_684 = vector.broadcast %add3A_683 : i32 to vector<16xi32>
    %add3A_685 = arith.addi %mul3A_6, %add3A_684 : vector<16xi32>
    %gather3A_686 = tpu.vector_load_idx %arg7[%add3A_685] : memref<1280xf32, #tpu.memory_space<vmem>>[vector<16xi32>], vector<16xf32>,
    %swap3A_687 = arith.constant 432 : index
    %swap3A_688 = tpu.vector_load %arg8[%swap3A_687] {strides = array<i32>} : memref<640xf32, #tpu.memory_space<vmem>>, vector<16xf32>,
    tpu.vector_store %arg8[%swap3A_687], %gather3A_686 {strides = array<i32>} : memref<640xf32, #tpu.memory_space<vmem>>, vector<16xf32>,
    %add3A_689 = arith.constant 1 : i32
    %add3A_690 = vector.broadcast %add3A_689 : i32 to vector<16xi32>
    %add3A_691 = arith.addi %add3A_685, %add3A_690 : vector<16xi32>
    %gather3A_692 = tpu.vector_load_idx %arg7[%add3A_691] : memref<1280xf32, #tpu.memory_space<vmem>>[vector<16xi32>], vector<16xf32>,
    %swap3A_693 = arith.constant 432 : index
    %swap3A_694 = tpu.vector_load %arg9[%swap3A_693] {strides = array<i32>} : memref<640xf32, #tpu.memory_space<vmem>>, vector<16xf32>,
    tpu.vector_store %arg9[%swap3A_693], %gather3A_692 {strides = array<i32>} : memref<640xf32, #tpu.memory_space<vmem>>, vector<16xf32>,
    %dma_wait3A_695 = arith.constant 7 : i32
    %dma_wait3A_696 = arith.constant 896 : i32
    %dma_wait3A_697 = tpu.memref_slice %arg7[%dma_wait3A_696] : memref<1280xf32, #tpu.memory_space<vmem>> -> memref<128xf32, #tpu.memory_space<vmem>>
    %dma_wait3A_698 = arith.constant 0 : i32
    %dma_wait3A_699 = tpu.memref_slice %arg6[%dma_wait3A_695, %dma_wait3A_698] : memref<10x128xi32, #tpu.memory_space<vmem>> -> memref<1x128xi32, #tpu.memory_space<vmem>>
    %dma_wait3A_700 = tpu.memref_squeeze %dma_wait3A_699 : memref<1x128xi32, #tpu.memory_space<vmem>> -> memref<128xi32, #tpu.memory_space<vmem>>
    %dma_wait3A_701 = arith.constant 0 : i32
    %dma_wait3A_702 = tpu.memref_slice %arg2[%dma_wait3A_701] : memref<262144xf32, #tpu.memory_space<hbm>> -> memref<262144xf32, #tpu.memory_space<hbm>>
    tpu.wait_indirect_dma semaphore(%arg27 : memref<!tpu.dma_semaphore, #tpu.memory_space<semaphore_mem>>) src(%dma_wait3A_702 : memref<262144xf32, #tpu.memory_space<hbm>>) dst(%dma_wait3A_697 : memref<128xf32, #tpu.memory_space<vmem>>)
    %add3A_703 = arith.constant 896 : i32
    %add3A_704 = vector.broadcast %add3A_703 : i32 to vector<16xi32>
    %add3A_705 = arith.addi %mul3A_6, %add3A_704 : vector<16xi32>
    %gather3A_706 = tpu.vector_load_idx %arg7[%add3A_705] : memref<1280xf32, #tpu.memory_space<vmem>>[vector<16xi32>], vector<16xf32>,
    %swap3A_707 = arith.constant 448 : index
    %swap3A_708 = tpu.vector_load %arg8[%swap3A_707] {strides = array<i32>} : memref<640xf32, #tpu.memory_space<vmem>>, vector<16xf32>,
    tpu.vector_store %arg8[%swap3A_707], %gather3A_706 {strides = array<i32>} : memref<640xf32, #tpu.memory_space<vmem>>, vector<16xf32>,
    %add3A_709 = arith.constant 1 : i32
    %add3A_710 = vector.broadcast %add3A_709 : i32 to vector<16xi32>
    %add3A_711 = arith.addi %add3A_705, %add3A_710 : vector<16xi32>
    %gather3A_712 = tpu.vector_load_idx %arg7[%add3A_711] : memref<1280xf32, #tpu.memory_space<vmem>>[vector<16xi32>], vector<16xf32>,
    %swap3A_713 = arith.constant 448 : index
    %swap3A_714 = tpu.vector_load %arg9[%swap3A_713] {strides = array<i32>} : memref<640xf32, #tpu.memory_space<vmem>>, vector<16xf32>,
    tpu.vector_store %arg9[%swap3A_713], %gather3A_712 {strides = array<i32>} : memref<640xf32, #tpu.memory_space<vmem>>, vector<16xf32>,
    %add3A_715 = arith.constant 928 : i32
    %add3A_716 = vector.broadcast %add3A_715 : i32 to vector<16xi32>
    %add3A_717 = arith.addi %mul3A_6, %add3A_716 : vector<16xi32>
    %gather3A_718 = tpu.vector_load_idx %arg7[%add3A_717] : memref<1280xf32, #tpu.memory_space<vmem>>[vector<16xi32>], vector<16xf32>,
    %swap3A_719 = arith.constant 464 : index
    %swap3A_720 = tpu.vector_load %arg8[%swap3A_719] {strides = array<i32>} : memref<640xf32, #tpu.memory_space<vmem>>, vector<16xf32>,
    tpu.vector_store %arg8[%swap3A_719], %gather3A_718 {strides = array<i32>} : memref<640xf32, #tpu.memory_space<vmem>>, vector<16xf32>,
    %add3A_721 = arith.constant 1 : i32
    %add3A_722 = vector.broadcast %add3A_721 : i32 to vector<16xi32>
    %add3A_723 = arith.addi %add3A_717, %add3A_722 : vector<16xi32>
    %gather3A_724 = tpu.vector_load_idx %arg7[%add3A_723] : memref<1280xf32, #tpu.memory_space<vmem>>[vector<16xi32>], vector<16xf32>,
    %swap3A_725 = arith.constant 464 : index
    %swap3A_726 = tpu.vector_load %arg9[%swap3A_725] {strides = array<i32>} : memref<640xf32, #tpu.memory_space<vmem>>, vector<16xf32>,
    tpu.vector_store %arg9[%swap3A_725], %gather3A_724 {strides = array<i32>} : memref<640xf32, #tpu.memory_space<vmem>>, vector<16xf32>,
    %add3A_727 = arith.constant 960 : i32
    %add3A_728 = vector.broadcast %add3A_727 : i32 to vector<16xi32>
    %add3A_729 = arith.addi %mul3A_6, %add3A_728 : vector<16xi32>
    %gather3A_730 = tpu.vector_load_idx %arg7[%add3A_729] : memref<1280xf32, #tpu.memory_space<vmem>>[vector<16xi32>], vector<16xf32>,
    %swap3A_731 = arith.constant 480 : index
    %swap3A_732 = tpu.vector_load %arg8[%swap3A_731] {strides = array<i32>} : memref<640xf32, #tpu.memory_space<vmem>>, vector<16xf32>,
    tpu.vector_store %arg8[%swap3A_731], %gather3A_730 {strides = array<i32>} : memref<640xf32, #tpu.memory_space<vmem>>, vector<16xf32>,
    %add3A_733 = arith.constant 1 : i32
    %add3A_734 = vector.broadcast %add3A_733 : i32 to vector<16xi32>
    %add3A_735 = arith.addi %add3A_729, %add3A_734 : vector<16xi32>
    %gather3A_736 = tpu.vector_load_idx %arg7[%add3A_735] : memref<1280xf32, #tpu.memory_space<vmem>>[vector<16xi32>], vector<16xf32>,
    %swap3A_737 = arith.constant 480 : index
    %swap3A_738 = tpu.vector_load %arg9[%swap3A_737] {strides = array<i32>} : memref<640xf32, #tpu.memory_space<vmem>>, vector<16xf32>,
    tpu.vector_store %arg9[%swap3A_737], %gather3A_736 {strides = array<i32>} : memref<640xf32, #tpu.memory_space<vmem>>, vector<16xf32>,
    %add3A_739 = arith.constant 992 : i32
    %add3A_740 = vector.broadcast %add3A_739 : i32 to vector<16xi32>
    %add3A_741 = arith.addi %mul3A_6, %add3A_740 : vector<16xi32>
    %gather3A_742 = tpu.vector_load_idx %arg7[%add3A_741] : memref<1280xf32, #tpu.memory_space<vmem>>[vector<16xi32>], vector<16xf32>,
    %swap3A_743 = arith.constant 496 : index
    %swap3A_744 = tpu.vector_load %arg8[%swap3A_743] {strides = array<i32>} : memref<640xf32, #tpu.memory_space<vmem>>, vector<16xf32>,
    tpu.vector_store %arg8[%swap3A_743], %gather3A_742 {strides = array<i32>} : memref<640xf32, #tpu.memory_space<vmem>>, vector<16xf32>,
    %add3A_745 = arith.constant 1 : i32
    %add3A_746 = vector.broadcast %add3A_745 : i32 to vector<16xi32>
    %add3A_747 = arith.addi %add3A_741, %add3A_746 : vector<16xi32>
    %gather3A_748 = tpu.vector_load_idx %arg7[%add3A_747] : memref<1280xf32, #tpu.memory_space<vmem>>[vector<16xi32>], vector<16xf32>,
    %swap3A_749 = arith.constant 496 : index
    %swap3A_750 = tpu.vector_load %arg9[%swap3A_749] {strides = array<i32>} : memref<640xf32, #tpu.memory_space<vmem>>, vector<16xf32>,
    tpu.vector_store %arg9[%swap3A_749], %gather3A_748 {strides = array<i32>} : memref<640xf32, #tpu.memory_space<vmem>>, vector<16xf32>,
    %dma_wait3A_751 = arith.constant 8 : i32
    %dma_wait3A_752 = arith.constant 1024 : i32
    %dma_wait3A_753 = tpu.memref_slice %arg7[%dma_wait3A_752] : memref<1280xf32, #tpu.memory_space<vmem>> -> memref<128xf32, #tpu.memory_space<vmem>>
    %dma_wait3A_754 = arith.constant 0 : i32
    %dma_wait3A_755 = tpu.memref_slice %arg6[%dma_wait3A_751, %dma_wait3A_754] : memref<10x128xi32, #tpu.memory_space<vmem>> -> memref<1x128xi32, #tpu.memory_space<vmem>>
    %dma_wait3A_756 = tpu.memref_squeeze %dma_wait3A_755 : memref<1x128xi32, #tpu.memory_space<vmem>> -> memref<128xi32, #tpu.memory_space<vmem>>
    %dma_wait3A_757 = arith.constant 0 : i32
    %dma_wait3A_758 = tpu.memref_slice %arg2[%dma_wait3A_757] : memref<262144xf32, #tpu.memory_space<hbm>> -> memref<262144xf32, #tpu.memory_space<hbm>>
    tpu.wait_indirect_dma semaphore(%arg28 : memref<!tpu.dma_semaphore, #tpu.memory_space<semaphore_mem>>) src(%dma_wait3A_758 : memref<262144xf32, #tpu.memory_space<hbm>>) dst(%dma_wait3A_753 : memref<128xf32, #tpu.memory_space<vmem>>)
    %add3A_759 = arith.constant 1024 : i32
    %add3A_760 = vector.broadcast %add3A_759 : i32 to vector<16xi32>
    %add3A_761 = arith.addi %mul3A_6, %add3A_760 : vector<16xi32>
    %gather3A_762 = tpu.vector_load_idx %arg7[%add3A_761] : memref<1280xf32, #tpu.memory_space<vmem>>[vector<16xi32>], vector<16xf32>,
    %swap3A_763 = arith.constant 512 : index
    %swap3A_764 = tpu.vector_load %arg8[%swap3A_763] {strides = array<i32>} : memref<640xf32, #tpu.memory_space<vmem>>, vector<16xf32>,
    tpu.vector_store %arg8[%swap3A_763], %gather3A_762 {strides = array<i32>} : memref<640xf32, #tpu.memory_space<vmem>>, vector<16xf32>,
    %add3A_765 = arith.constant 1 : i32
    %add3A_766 = vector.broadcast %add3A_765 : i32 to vector<16xi32>
    %add3A_767 = arith.addi %add3A_761, %add3A_766 : vector<16xi32>
    %gather3A_768 = tpu.vector_load_idx %arg7[%add3A_767] : memref<1280xf32, #tpu.memory_space<vmem>>[vector<16xi32>], vector<16xf32>,
    %swap3A_769 = arith.constant 512 : index
    %swap3A_770 = tpu.vector_load %arg9[%swap3A_769] {strides = array<i32>} : memref<640xf32, #tpu.memory_space<vmem>>, vector<16xf32>,
    tpu.vector_store %arg9[%swap3A_769], %gather3A_768 {strides = array<i32>} : memref<640xf32, #tpu.memory_space<vmem>>, vector<16xf32>,
    %add3A_771 = arith.constant 1056 : i32
    %add3A_772 = vector.broadcast %add3A_771 : i32 to vector<16xi32>
    %add3A_773 = arith.addi %mul3A_6, %add3A_772 : vector<16xi32>
    %gather3A_774 = tpu.vector_load_idx %arg7[%add3A_773] : memref<1280xf32, #tpu.memory_space<vmem>>[vector<16xi32>], vector<16xf32>,
    %swap3A_775 = arith.constant 528 : index
    %swap3A_776 = tpu.vector_load %arg8[%swap3A_775] {strides = array<i32>} : memref<640xf32, #tpu.memory_space<vmem>>, vector<16xf32>,
    tpu.vector_store %arg8[%swap3A_775], %gather3A_774 {strides = array<i32>} : memref<640xf32, #tpu.memory_space<vmem>>, vector<16xf32>,
    %add3A_777 = arith.constant 1 : i32
    %add3A_778 = vector.broadcast %add3A_777 : i32 to vector<16xi32>
    %add3A_779 = arith.addi %add3A_773, %add3A_778 : vector<16xi32>
    %gather3A_780 = tpu.vector_load_idx %arg7[%add3A_779] : memref<1280xf32, #tpu.memory_space<vmem>>[vector<16xi32>], vector<16xf32>,
    %swap3A_781 = arith.constant 528 : index
    %swap3A_782 = tpu.vector_load %arg9[%swap3A_781] {strides = array<i32>} : memref<640xf32, #tpu.memory_space<vmem>>, vector<16xf32>,
    tpu.vector_store %arg9[%swap3A_781], %gather3A_780 {strides = array<i32>} : memref<640xf32, #tpu.memory_space<vmem>>, vector<16xf32>,
    %add3A_783 = arith.constant 1088 : i32
    %add3A_784 = vector.broadcast %add3A_783 : i32 to vector<16xi32>
    %add3A_785 = arith.addi %mul3A_6, %add3A_784 : vector<16xi32>
    %gather3A_786 = tpu.vector_load_idx %arg7[%add3A_785] : memref<1280xf32, #tpu.memory_space<vmem>>[vector<16xi32>], vector<16xf32>,
    %swap3A_787 = arith.constant 544 : index
    %swap3A_788 = tpu.vector_load %arg8[%swap3A_787] {strides = array<i32>} : memref<640xf32, #tpu.memory_space<vmem>>, vector<16xf32>,
    tpu.vector_store %arg8[%swap3A_787], %gather3A_786 {strides = array<i32>} : memref<640xf32, #tpu.memory_space<vmem>>, vector<16xf32>,
    %add3A_789 = arith.constant 1 : i32
    %add3A_790 = vector.broadcast %add3A_789 : i32 to vector<16xi32>
    %add3A_791 = arith.addi %add3A_785, %add3A_790 : vector<16xi32>
    %gather3A_792 = tpu.vector_load_idx %arg7[%add3A_791] : memref<1280xf32, #tpu.memory_space<vmem>>[vector<16xi32>], vector<16xf32>,
    %swap3A_793 = arith.constant 544 : index
    %swap3A_794 = tpu.vector_load %arg9[%swap3A_793] {strides = array<i32>} : memref<640xf32, #tpu.memory_space<vmem>>, vector<16xf32>,
    tpu.vector_store %arg9[%swap3A_793], %gather3A_792 {strides = array<i32>} : memref<640xf32, #tpu.memory_space<vmem>>, vector<16xf32>,
    %add3A_795 = arith.constant 1120 : i32
    %add3A_796 = vector.broadcast %add3A_795 : i32 to vector<16xi32>
    %add3A_797 = arith.addi %mul3A_6, %add3A_796 : vector<16xi32>
    %gather3A_798 = tpu.vector_load_idx %arg7[%add3A_797] : memref<1280xf32, #tpu.memory_space<vmem>>[vector<16xi32>], vector<16xf32>,
    %swap3A_799 = arith.constant 560 : index
    %swap3A_800 = tpu.vector_load %arg8[%swap3A_799] {strides = array<i32>} : memref<640xf32, #tpu.memory_space<vmem>>, vector<16xf32>,
    tpu.vector_store %arg8[%swap3A_799], %gather3A_798 {strides = array<i32>} : memref<640xf32, #tpu.memory_space<vmem>>, vector<16xf32>,
    %add3A_801 = arith.constant 1 : i32
    %add3A_802 = vector.broadcast %add3A_801 : i32 to vector<16xi32>
    %add3A_803 = arith.addi %add3A_797, %add3A_802 : vector<16xi32>
    %gather3A_804 = tpu.vector_load_idx %arg7[%add3A_803] : memref<1280xf32, #tpu.memory_space<vmem>>[vector<16xi32>], vector<16xf32>,
    %swap3A_805 = arith.constant 560 : index
    %swap3A_806 = tpu.vector_load %arg9[%swap3A_805] {strides = array<i32>} : memref<640xf32, #tpu.memory_space<vmem>>, vector<16xf32>,
    tpu.vector_store %arg9[%swap3A_805], %gather3A_804 {strides = array<i32>} : memref<640xf32, #tpu.memory_space<vmem>>, vector<16xf32>,
    %dma_wait3A_807 = arith.constant 9 : i32
    %dma_wait3A_808 = arith.constant 1152 : i32
    %dma_wait3A_809 = tpu.memref_slice %arg7[%dma_wait3A_808] : memref<1280xf32, #tpu.memory_space<vmem>> -> memref<128xf32, #tpu.memory_space<vmem>>
    %dma_wait3A_810 = arith.constant 0 : i32
    %dma_wait3A_811 = tpu.memref_slice %arg6[%dma_wait3A_807, %dma_wait3A_810] : memref<10x128xi32, #tpu.memory_space<vmem>> -> memref<1x128xi32, #tpu.memory_space<vmem>>
    %dma_wait3A_812 = tpu.memref_squeeze %dma_wait3A_811 : memref<1x128xi32, #tpu.memory_space<vmem>> -> memref<128xi32, #tpu.memory_space<vmem>>
    %dma_wait3A_813 = arith.constant 0 : i32
    %dma_wait3A_814 = tpu.memref_slice %arg2[%dma_wait3A_813] : memref<262144xf32, #tpu.memory_space<hbm>> -> memref<262144xf32, #tpu.memory_space<hbm>>
    tpu.wait_indirect_dma semaphore(%arg29 : memref<!tpu.dma_semaphore, #tpu.memory_space<semaphore_mem>>) src(%dma_wait3A_814 : memref<262144xf32, #tpu.memory_space<hbm>>) dst(%dma_wait3A_809 : memref<128xf32, #tpu.memory_space<vmem>>)
    %add3A_815 = arith.constant 1152 : i32
    %add3A_816 = vector.broadcast %add3A_815 : i32 to vector<16xi32>
    %add3A_817 = arith.addi %mul3A_6, %add3A_816 : vector<16xi32>
    %gather3A_818 = tpu.vector_load_idx %arg7[%add3A_817] : memref<1280xf32, #tpu.memory_space<vmem>>[vector<16xi32>], vector<16xf32>,
    %swap3A_819 = arith.constant 576 : index
    %swap3A_820 = tpu.vector_load %arg8[%swap3A_819] {strides = array<i32>} : memref<640xf32, #tpu.memory_space<vmem>>, vector<16xf32>,
    tpu.vector_store %arg8[%swap3A_819], %gather3A_818 {strides = array<i32>} : memref<640xf32, #tpu.memory_space<vmem>>, vector<16xf32>,
    %add3A_821 = arith.constant 1 : i32
    %add3A_822 = vector.broadcast %add3A_821 : i32 to vector<16xi32>
    %add3A_823 = arith.addi %add3A_817, %add3A_822 : vector<16xi32>
    %gather3A_824 = tpu.vector_load_idx %arg7[%add3A_823] : memref<1280xf32, #tpu.memory_space<vmem>>[vector<16xi32>], vector<16xf32>,
    %swap3A_825 = arith.constant 576 : index
    %swap3A_826 = tpu.vector_load %arg9[%swap3A_825] {strides = array<i32>} : memref<640xf32, #tpu.memory_space<vmem>>, vector<16xf32>,
    tpu.vector_store %arg9[%swap3A_825], %gather3A_824 {strides = array<i32>} : memref<640xf32, #tpu.memory_space<vmem>>, vector<16xf32>,
    %add3A_827 = arith.constant 1184 : i32
    %add3A_828 = vector.broadcast %add3A_827 : i32 to vector<16xi32>
    %add3A_829 = arith.addi %mul3A_6, %add3A_828 : vector<16xi32>
    %gather3A_830 = tpu.vector_load_idx %arg7[%add3A_829] : memref<1280xf32, #tpu.memory_space<vmem>>[vector<16xi32>], vector<16xf32>,
    %swap3A_831 = arith.constant 592 : index
    %swap3A_832 = tpu.vector_load %arg8[%swap3A_831] {strides = array<i32>} : memref<640xf32, #tpu.memory_space<vmem>>, vector<16xf32>,
    tpu.vector_store %arg8[%swap3A_831], %gather3A_830 {strides = array<i32>} : memref<640xf32, #tpu.memory_space<vmem>>, vector<16xf32>,
    %add3A_833 = arith.constant 1 : i32
    %add3A_834 = vector.broadcast %add3A_833 : i32 to vector<16xi32>
    %add3A_835 = arith.addi %add3A_829, %add3A_834 : vector<16xi32>
    %gather3A_836 = tpu.vector_load_idx %arg7[%add3A_835] : memref<1280xf32, #tpu.memory_space<vmem>>[vector<16xi32>], vector<16xf32>,
    %swap3A_837 = arith.constant 592 : index
    %swap3A_838 = tpu.vector_load %arg9[%swap3A_837] {strides = array<i32>} : memref<640xf32, #tpu.memory_space<vmem>>, vector<16xf32>,
    tpu.vector_store %arg9[%swap3A_837], %gather3A_836 {strides = array<i32>} : memref<640xf32, #tpu.memory_space<vmem>>, vector<16xf32>,
    %add3A_839 = arith.constant 1216 : i32
    %add3A_840 = vector.broadcast %add3A_839 : i32 to vector<16xi32>
    %add3A_841 = arith.addi %mul3A_6, %add3A_840 : vector<16xi32>
    %gather3A_842 = tpu.vector_load_idx %arg7[%add3A_841] : memref<1280xf32, #tpu.memory_space<vmem>>[vector<16xi32>], vector<16xf32>,
    %swap3A_843 = arith.constant 608 : index
    %swap3A_844 = tpu.vector_load %arg8[%swap3A_843] {strides = array<i32>} : memref<640xf32, #tpu.memory_space<vmem>>, vector<16xf32>,
    tpu.vector_store %arg8[%swap3A_843], %gather3A_842 {strides = array<i32>} : memref<640xf32, #tpu.memory_space<vmem>>, vector<16xf32>,
    %add3A_845 = arith.constant 1 : i32
    %add3A_846 = vector.broadcast %add3A_845 : i32 to vector<16xi32>
    %add3A_847 = arith.addi %add3A_841, %add3A_846 : vector<16xi32>
    %gather3A_848 = tpu.vector_load_idx %arg7[%add3A_847] : memref<1280xf32, #tpu.memory_space<vmem>>[vector<16xi32>], vector<16xf32>,
    %swap3A_849 = arith.constant 608 : index
    %swap3A_850 = tpu.vector_load %arg9[%swap3A_849] {strides = array<i32>} : memref<640xf32, #tpu.memory_space<vmem>>, vector<16xf32>,
    tpu.vector_store %arg9[%swap3A_849], %gather3A_848 {strides = array<i32>} : memref<640xf32, #tpu.memory_space<vmem>>, vector<16xf32>,
    %add3A_851 = arith.constant 1248 : i32
    %add3A_852 = vector.broadcast %add3A_851 : i32 to vector<16xi32>
    %add3A_853 = arith.addi %mul3A_6, %add3A_852 : vector<16xi32>
    %gather3A_854 = tpu.vector_load_idx %arg7[%add3A_853] : memref<1280xf32, #tpu.memory_space<vmem>>[vector<16xi32>], vector<16xf32>,
    %swap3A_855 = arith.constant 624 : index
    %swap3A_856 = tpu.vector_load %arg8[%swap3A_855] {strides = array<i32>} : memref<640xf32, #tpu.memory_space<vmem>>, vector<16xf32>,
    tpu.vector_store %arg8[%swap3A_855], %gather3A_854 {strides = array<i32>} : memref<640xf32, #tpu.memory_space<vmem>>, vector<16xf32>,
    %add3A_857 = arith.constant 1 : i32
    %add3A_858 = vector.broadcast %add3A_857 : i32 to vector<16xi32>
    %add3A_859 = arith.addi %add3A_853, %add3A_858 : vector<16xi32>
    %gather3A_860 = tpu.vector_load_idx %arg7[%add3A_859] : memref<1280xf32, #tpu.memory_space<vmem>>[vector<16xi32>], vector<16xf32>,
    %swap3A_861 = arith.constant 624 : index
    %swap3A_862 = tpu.vector_load %arg9[%swap3A_861] {strides = array<i32>} : memref<640xf32, #tpu.memory_space<vmem>>, vector<16xf32>,
    tpu.vector_store %arg9[%swap3A_861], %gather3A_860 {strides = array<i32>} : memref<640xf32, #tpu.memory_space<vmem>>, vector<16xf32>,
    %dma_start3A_863 = tpu.memref_slice %arg4[%multiple_of3A] : memref<20000xf32, #tpu.memory_space<hbm>> -> memref<640xf32, #tpu.memory_space<hbm>>
    %dma_start3A_864 = tpu.memref_slice %arg4[%multiple_of3A] : memref<20000xf32, #tpu.memory_space<hbm>> -> memref<640xf32, #tpu.memory_space<hbm>>
    tpu.enqueue_dma source(%arg8 : memref<640xf32, #tpu.memory_space<vmem>>) target(%dma_start3A_864 : memref<640xf32, #tpu.memory_space<hbm>>) target_semaphore(%arg30 : memref<!tpu.dma_semaphore, #tpu.memory_space<semaphore_mem>>)
    %dma_start3A_865 = tpu.memref_slice %arg5[%multiple_of3A] : memref<20000xf32, #tpu.memory_space<hbm>> -> memref<640xf32, #tpu.memory_space<hbm>>
    %dma_start3A_866 = tpu.memref_slice %arg5[%multiple_of3A] : memref<20000xf32, #tpu.memory_space<hbm>> -> memref<640xf32, #tpu.memory_space<hbm>>
    tpu.enqueue_dma source(%arg9 : memref<640xf32, #tpu.memory_space<vmem>>) target(%dma_start3A_866 : memref<640xf32, #tpu.memory_space<hbm>>) target_semaphore(%arg30 : memref<!tpu.dma_semaphore, #tpu.memory_space<semaphore_mem>>)
    %dma_wait3A_867 = tpu.memref_slice %arg4[%multiple_of3A] : memref<20000xf32, #tpu.memory_space<hbm>> -> memref<640xf32, #tpu.memory_space<hbm>>
    %dma_wait3A_868 = tpu.memref_slice %arg4[%multiple_of3A] : memref<20000xf32, #tpu.memory_space<hbm>> -> memref<640xf32, #tpu.memory_space<hbm>>
    tpu.wait_dma2 semaphore(%arg30 : memref<!tpu.dma_semaphore, #tpu.memory_space<semaphore_mem>>) src(%arg8 : memref<640xf32, #tpu.memory_space<vmem>>) dst(%dma_wait3A_868 : memref<640xf32, #tpu.memory_space<hbm>>)
    %dma_wait3A_869 = tpu.memref_slice %arg5[%multiple_of3A] : memref<20000xf32, #tpu.memory_space<hbm>> -> memref<640xf32, #tpu.memory_space<hbm>>
    %dma_wait3A_870 = tpu.memref_slice %arg5[%multiple_of3A] : memref<20000xf32, #tpu.memory_space<hbm>> -> memref<640xf32, #tpu.memory_space<hbm>>
    tpu.wait_dma2 semaphore(%arg30 : memref<!tpu.dma_semaphore, #tpu.memory_space<semaphore_mem>>) src(%arg9 : memref<640xf32, #tpu.memory_space<vmem>>) dst(%dma_wait3A_870 : memref<640xf32, #tpu.memory_space<hbm>>)
    return
  }
}

</mosaic_0001>

<sc_bundles>
// kernel: kernel.3.cloned.1.call-start
scs
__scs_entry_jumppad:
0x0: {  	(pc) =	sbr.rel $0x88, $3  }
0x1: {  	(tag) =	ssettag $0x0;
	lr =	simm.s32 $0x1  }
0x2: {  	[smem:$0x3F9F] =	sst lr;
	_ =	strace $0xD0000000  }
0x3: {  	_ = 	snop  }
0x4: {  	_ = 	snop  }
0x5: {  	_ = 	snop  }
0x6: {  	_ = 	snop  }
0x7: {  	_ = 	snop  }
__scs_overlays_trampoline_lowered:
0x8: {  	[smem:$0x3FAE] =	sst s0  }
0x9: {  	[smem:$0x3FAF] =	sst s1  }
0xa: {  	[smem:$0x3FB0] =	sst s2  }
0xb: {  	[smem:$0x3FB1] =	sst s3  }
0xc: {  	[smem:$0x3FB2] =	sst s4  }
0xd: {  	[smem:$0x3FB3] =	sst s5  }
0xe: {  	[smem:$0x3FB4] =	sst s6  }
0xf: {  	[smem:$0x3FB5] =	sst s7  }
0x10: {  	[smem:$0x3FB6] =	sst s8  }
0x11: {  	[smem:$0x3FB7] =	sst s9;
	s0 =	simm.s32 @!p0 $0x0  }
0x12: {  	s1 =	sld [smem:$0x3F9D];
	s0 =	simm.s32 @p0 $0x1  }
0x13: {  	[smem:$0x3FB8] =	sst s0;
	s0 =	simm.s32 @!p1 $0x0  }
0x14: {  	s2 =	sld [smem:$0x3F9C];
	s0 =	simm.s32 @p1 $0x1  }
0x15: {  	[smem:$0x3FB9] =	sst s0;
	s0 =	simm.s32 @!p2 $0x0  }
0x16: {  	s3 =	sld [smem:$0x3FDB];
	s0 =	simm.s32 @p2 $0x1  }
0x17: {  	s4 =	simm.s32 $0x1BF5;
	[smem:$0x3FBB] =	sst s0  }
0x18: {  	s0 =	sld [smem:$0x3F9E];
	_ =	swait.ge [sflag:s4], $0x0  }
0x19: {  	s7 =	sld [smem:$0x3F9F]  }
0x1a: {  	s8 =	sadd.s32 $0xFFFFE003, lr  }
0x1b: {  	s9 =	sadd.s32 $0xFFFFFEF7, lr;
	s5 =	simm.s32 $0xFFFFFFFF;
	p2 =	slt.u32 s8, $0xFFFFF086  }
0x1c: {  	p1 =	slt.u32 s9, $0xF7A;
	s5 =	simm.s32 @!p2 $0x0  }
0x1d: {  	s5 =	simm.s32 @p1 $0x1;
	p0 =	seq.s32 s7, s2  }
0x1e: {  	s7 =	smul.u32 @!p0 $0xF7A, s2;
	p2 =	seq.s32 @!p0 s5, $0x0  }
0x1f: {  	s9 =	smul.u32 $0xF7A, s1;
	s8 =	simm.s32 @!p0 $0x1BF5;
	p2 =	por !p2, p0  }
0x20: {  	[sflag:s8] =	ssyncset.s32 @!p0 $0xFFFFF086;
	s6 =	sadd.s32 @!p0 s3, s7;
	s7 =	simm.s32 @!p0 $0x108  }
0x21: {  	s3 =	sadd.s32 s3, s9;
	s6 =	sadd.s32 @!p0 $0x88, s6;
	s7 =	simm.s32 @p2 $0x1082  }
0x22: {  	[simem:s7], [sflag:s8] =	dma.local @!p0 [hbm:s6], $0xF7A  }
0x23: {  	s9 =	sor.u32 $0xD0000000, s2;
	s6 =	simm.s32 $0x108;
	_ =	swait.ge @!p0 [sflag:s8], $0x0  }
0x24: {  	s3 =	sadd.s32 $0x88, s3;
	s6 =	simm.s32 @!p1 $0x1082;
	[sflag:s4] =	ssyncset.s32 $0xFFFFF086  }
0x25: {  	[simem:s6], [sflag:s4] =	dma.local [hbm:s3], $0xF7A  }
0x26: {  	[smem:$0x3F9F] =	sst s1;
	(tag) =	ssettag s2;
	_ =	strace s9  }
0x27: {  	s1 =	sld [smem:$0x3FAF]  }
0x28: {  	s2 =	sld [smem:$0x3FB0]  }
0x29: {  	s4 =	sld [smem:$0x3FB2]  }
0x2a: {  	p0 =	seq.s32 s5, $0x0;
	s5 =	sld [smem:$0x3FB3]  }
0x2b: {  	s6 =	sld [smem:$0x3FB4]  }
0x2c: {  	s7 =	sld [smem:$0x3FB5]  }
0x2d: {  	s3 =	simm.s32 $0x108;
	s8 =	sld [smem:$0x3FB6]  }
0x2e: {  	s3 =	simm.s32 @!p0 $0x1082;
	s9 =	sld [smem:$0x3FB7]  }
0x2f: {  	lr =	sadd.s32 s0, s3;
	s0 =	sld [smem:$0x3FAE]  }
0x30: {  	s3 =	sld [smem:$0x3FB1]  }
0x31: {  	[smem:$0x3FBA] =	sst s10  }
0x32: {  	s10 =	sld [smem:$0x3FB8];
	_ =	sdelay $0x3  }
0x33: {  	p0 =	seq.s32 s10, $0x1;
	s10 =	sld [smem:$0x3FBA];
	_ =	sdelay $0x3  }
0x34: {  	[smem:$0x3FBA] =	sst s10  }
0x35: {  	s10 =	sld [smem:$0x3FB9];
	_ =	sdelay $0x3  }
0x36: {  	p1 =	seq.s32 s10, $0x1;
	s10 =	sld [smem:$0x3FBA];
	_ =	sdelay $0x3  }
0x37: {  	[smem:$0x3FBA] =	sst s10  }
0x38: {  	s10 =	sld [smem:$0x3FBB]  }
0x39: {  	_ = 	snop;
	(pc) =	sbr.ind lr, $3  }
0x3a: {  	_ = 	snop  }
0x3b: {  	_ = 	snop  }
0x3c: {  	p2 =	seq.s32 s10, $0x1;
	s10 =	sld [smem:$0x3FBA]  }
0x3d: {  	_ =	shalt  }
0x3e: {  	_ =	shalt  }
0x3f: {  	_ =	shalt  }
0x40: {  	_ =	shalt  }
0x41: {  	_ =	shalt  }
0x42: {  	_ =	shalt  }
0x43: {  	_ =	shalt  }
0x44: {  	_ =	shalt  }
0x45: {  	_ =	shalt  }
0x46: {  	_ =	shalt  }
0x47: {  	_ =	shalt  }
0x48: {  	_ =	shalt  }
0x49: {  	_ =	shalt  }
0x4a: {  	_ =	shalt  }
0x4b: {  	_ =	shalt  }
0x4c: {  	_ =	shalt  }
0x4d: {  	_ =	shalt  }
0x4e: {  	_ =	shalt  }
0x4f: {  	_ =	shalt  }
0x50: {  	_ =	shalt  }
0x51: {  	_ =	shalt  }
0x52: {  	_ =	shalt  }
0x53: {  	_ =	shalt  }
0x54: {  	_ =	shalt  }
0x55: {  	_ =	shalt  }
0x56: {  	_ =	shalt  }
0x57: {  	_ =	shalt  }
0x58: {  	_ =	shalt  }
0x59: {  	_ =	shalt  }
0x5a: {  	_ =	shalt  }
0x5b: {  	_ =	shalt  }
0x5c: {  	_ =	shalt  }
0x5d: {  	_ =	shalt  }
0x5e: {  	_ =	shalt  }
0x5f: {  	_ =	shalt  }
0x60: {  	_ =	shalt  }
0x61: {  	_ =	shalt  }
0x62: {  	_ =	shalt  }
0x63: {  	_ =	shalt  }
0x64: {  	_ =	shalt  }
0x65: {  	_ =	shalt  }
0x66: {  	_ =	shalt  }
0x67: {  	_ =	shalt  }
0x68: {  	_ =	shalt  }
0x69: {  	_ =	shalt  }
0x6a: {  	_ =	shalt  }
0x6b: {  	_ =	shalt  }
0x6c: {  	_ =	shalt  }
0x6d: {  	_ =	shalt  }
0x6e: {  	_ =	shalt  }
0x6f: {  	_ =	shalt  }
0x70: {  	_ =	shalt  }
0x71: {  	_ =	shalt  }
0x72: {  	_ =	shalt  }
0x73: {  	_ =	shalt  }
0x74: {  	_ =	shalt  }
0x75: {  	_ =	shalt  }
0x76: {  	_ =	shalt  }
0x77: {  	_ =	shalt  }
0x78: {  	_ =	shalt  }
0x79: {  	_ =	shalt  }
0x7a: {  	_ =	shalt  }
0x7b: {  	_ =	shalt  }
0x7c: {  	_ =	shalt  }
0x7d: {  	_ =	shalt  }
0x7e: {  	_ =	shalt  }
0x7f: {  	_ =	shalt  }
0x80: {  	_ =	shalt  }
0x81: {  	_ =	shalt  }
0x82: {  	_ =	shalt  }
0x83: {  	_ =	shalt  }
0x84: {  	_ =	shalt  }
0x85: {  	_ =	shalt  }
0x86: {  	_ =	shalt  }
0x87: {  	_ =	shalt  }
.Lfunc_end0:
.L_simem_size_0:
called_computation_lowered:
.L_overlay_start_0:
0x88: {  	s2 =	sld [smem:$0x3FD9]  }
0x89: {  	s3 =	sld [smem:$0x3FFE];
	_ =	sdelay $0x1  }
0x8a: {  	s1 =	srdreg.scid  }
0x8b: {  	s0 =	sand.u32 $0x1, s1  }
0x8c: {  	s17 =	sshll.u32 s0, $0xA;
	s2 =	sadd.s32 s3, s2  }
0x8d: {  	s2 =	sadd.s32 s2, s17  }
0x8e: {  	[smem:$0x3FC6] =	sst s2  }
0x8f: {  	_ = 	snop  }
0x90: {  	s2 =	sld [smem:$0x3FC9]  }
0x91: {  	s18 =	sld [smem:$0x3FD0];
	(tm) =	ssettm $0x1  }
0x92: {  	s4 =	sld [smem:$0x3FFB];
	_ =	sdelay $0x3  }
0x93: {  	_ =	strace s4  }
0x94: {  	s4 =	sld [smem:$0x3FFC];
	_ =	sdelay $0x3  }
0x95: {  	_ =	strace s4  }
0x96: {  	s4 =	sld [smem:$0x3FFD];
	_ =	sdelay $0x3  }
0x97: {  	_ =	strace s4  }
0x98: {  	_ =	strace $0x8FFFFFFF  }
0x99: {  	s19 =	sld [smem:$0x3FDB];
	_ =	sdelay $0x1  }
0x9a: {  	s5 =	simm.s32 $_scs_section_size  }
0x9b: {  	s6 =	simm.s32 $_size__tile_overlayer_lowered;
	s7 =	simm.s32 $_tile_overlayer_lowered  }
0x9c: {  	s22 =	simm.s32 $0x1BFF;
	s21 =	sshll.u32 s7, $0x1;
	s4 =	sadd.s32 s5, s19  }
0x9d: {  	s8 =	simm.s32 $0x0;
	s20 =	sshll.u32 s6, $0x1;
	s6 =	sadd.s32 s21, s4  }
0x9e: {  	[timem:s8], [sflag:s22] =	dma.local [hbm:s6], s20  }
0x9f: {  	_ =	swait.ge [sflag:s22], s20  }
0xa0: {  	s5 =	ssub.s32 $0x0, s20;
	[sflag:s22] =	ssyncset.done $0x0  }
0xa1: {  	[sflag:s22] =	ssyncadd.s32 s5;
	_ =	sdelay $0x1  }
0xa2: {  	s23 =	simm.s32 $0x1B8B  }
0xa3: {  	_ =	swait.ge [sflag:s23], $0x1  }
0xa4: {  	[sflag:s23] =	ssyncset.done $0x0  }
0xa5: {  	s25 =	simm.s32 $0x1B8E;
	s24 =	sld [smem:$0x3FFE];
	[sflag:s23] =	ssyncadd.s32 $0xFFFFFFFF  }
0xa6: {  	s26 =	simm.s32 $execute0_lowered;
	[smem:$0x3FD2] =	sst s25  }
0xa7: {  	s6 =	sshll.u32 s26, $0x1;
	_ =	strace $0x80000046;
	[dreg:$0x1] =	wrdreg $0xFFFFFFFF  }
0xa8: {  	s28 =	simm.s32 $_size_execute0_lowered;
	s4 =	sadd.s32 s4, s6;
	[dreg:$0x0] =	wrdreg $0x0  }
0xa9: {  	s6 =	sshll.u32 s28, $0x1;
	[dreg:$0x2] =	wrdreg s4  }
0xaa: {  	[dreg:$0x3] =	wrdreg s6  }
0xab: {  	[dreg:$0x4] =	wrdreg $0xC0  }
0xac: {  	_ =	task [dreg:s8], $0x5FFFF  }
0xad: {  	[dreg:$0x1] =	wrdreg $0xFFFFFFFF  }
0xae: {  	[dreg:$0x0] =	wrdreg $0x60  }
0xaf: {  	[dreg:$0x2] =	wrdreg s2  }
0xb0: {  	[dreg:$0x3] =	wrdreg s24  }
0xb1: {  	[dreg:$0x4] =	wrdreg s18  }
0xb2: {  	[dreg:$0x5] =	wrdreg $0x9  }
0xb3: {  	_ =	task.clear_ibuf [dreg:s8], $0x6FFFF;
	_ =	strace $0x90000046  }
0xb4: {  	s29 =	simm.s32 $0x9;
	_ =	strace $0x80000048  }
0xb5: {  	_ =	swait.ge [sflag:s29], $0x1  }
0xb6: {  	[sflag:s29] =	ssyncadd.s32 $0xFFFFFFFF  }
0xb7: {  	_ =	strace $0x90000048  }
0xb8: {  	_ =	sfence  }
0xb9: {  	s30 =	sld [smem:$0x0];
	_ =	sdelay $0x2  }
0xba: {  	s31 =	sshll.u32 s1, $0xD;
	s1 =	sshrl.u32 s1, $0x2  }
0xbb: {  	s3 =	sand.u32 $0x4000, s31;
	s1 =	sadd.s32 s1, s30  }
0xbc: {  	s0 =	sor.u32 s3, s0;
	s1 =	sshll.u32 s1, $0x11  }
0xbd: {  	s0 =	sor.u32 s1, s0  }
0xbe: {  	s0 =	sadd.s32 $0x8F2B, s0  }
0xbf: {  	[sflag:s0] =	ssyncadd.remote.s32 $0x1  }
0xc0: {  	_ =	sfence.sel $0xFFFF  }
0xc1: {  	[dreg:$0x0] =	wrdreg $0xFFFFFFFF;
	(pc) =	sbr.abs _section_cstart, $3  }
0xc2: {  	[dreg:$0x1] =	wrdreg $0xFFFFFFFF  }
0xc3: {  	_ =	task.clear_ibuf [dreg:s8], $0x2FFFF;
	_ =	strace $0x9FFFFFFF  }
0xc4: {  	(tm) =	ssettm $0x7FFFFFFF  }
0xc5: {  	_ =	shalt  }
tec
execute0_lowered:
.L_overlay_start_1:
0x0: {  	(tag) =	ssettag $0x1  }
0x1: {  	s0 =	srdreg.scid;
	s2 =	rddreg [dreg:$0x0]  }
0x2: {  	s1 =	stileid.u32;
	s4 =	rddreg [dreg:$0x1]  }
0x3: {  	s5 =	rddreg [dreg:$0x2];
	s3 =	simm.s32 $0x0;
	s16 =	simm.s32 $0x880  }
0x4: {  	s17 =	simm.s32 $0x900;
	s18 =	simm.s32 $0x980;
	s19 =	simm.s32 $0xA00  }
0x5: {  	s20 =	simm.s32 $0xA80;
	s21 =	simm.s32 $0xB00;
	[smem:$0x7FF] =	sst s3  }
0x6: {  	s22 =	simm.s32 $0xB80;
	_ =	strace $0x80000047;
	[dreg:$0x10] =	wrdreg s16  }
0x7: {  	s23 =	simm.s32 $0xC00;
	s24 =	simm.s32 $0xC80;
	[dreg:$0x11] =	wrdreg s17  }
0x8: {  	v0 =	vlaneseq.u32;
	s28 =	simm.s32 $0xD;
	s29 =	simm.s32 $0xE;
	[dreg:$0x12] =	wrdreg s18  }
0x9: {  	s30 =	simm.s32 $0xF;
	s31 =	simm.s32 $0x10;
	v0 =	vmul.u32 $0x2, v0;
	[dreg:$0x13] =	wrdreg s19  }
0xa: {  	s0 =	sand.u32 $0x1, s0;
	s1 =	sshll.u32 s1, $0x1;
	[dreg:$0x14] =	wrdreg s20  }
0xb: {  	s1 =	sor.u32 s0, s1;
	s0 =	ssub.s32 $0x2, s0;
	[dreg:$0x15] =	wrdreg s21;
	v1 =	vor.u32 $0x1, v0;
	v3 =	vor.u32 $0x21, v0;
	v4 =	vor.u32 $0x40, v0  }
0xc: {  	s20 =	simm.s32 $0x6;
	[dreg:$0x16] =	wrdreg s22;
	s1 =	smul.u32 $0x280, s1;
	v5 =	vor.u32 $0x41, v0;
	v6 =	vor.u32 $0x60, v0;
	v7 =	vor.u32 $0x61, v0  }
0xd: {  	s21 =	simm.s32 $0x7;
	s22 =	simm.s32 $0x8;
	[dreg:$0x17] =	wrdreg s23;
	v8 =	vor.u32 $0x80, v0;
	v9 =	vor.u32 $0x81, v0;
	v10 =	vor.u32 $0xA0, v0  }
0xe: {  	s23 =	simm.s32 $0x9;
	[dreg:$0x18] =	wrdreg s24;
	v11 =	vor.u32 $0xA1, v0;
	v12 =	vor.u32 $0xC0, v0;
	v13 =	vor.u32 $0xC1, v0;
	s1 =	smin.u32 s1, $0x4BA0  }
0xf: {  	s24 =	simm.s32 $0xA;
	v14 =	vor.u32 $0xE0, v0;
	v15 =	vor.u32 $0xE1, v0;
	v16 =	vor.u32 $0x100, v0;
	s6 =	sshrl.u32 s1, $0x2;
	s1 =	sshrl.u32 s1, $0x3  }
0x10: {  	v17 =	vor.u32 $0x101, v0;
	v18 =	vor.u32 $0x120, v0;
	v19 =	vor.u32 $0x121, v0;
	s6 =	sadd.s32 s6, s4;
	s4 =	sadd.s32 s1, s4;
	s1 =	sadd.s32 s5, s1  }
0x11: {  	s16 =	simm.s32 $0x300;
	v20 =	vor.u32 $0x140, v0;
	v21 =	vor.u32 $0x141, v0;
	v22 =	vor.u32 $0x160, v0;
	s7 =	sadd.s32 $0x600, s6;
	[dreg:$0xe] =	wrdreg s1  }
0x12: {  	s17 =	simm.s32 $0x380;
	v23 =	vor.u32 $0x161, v0;
	v24 =	vor.u32 $0x180, v0;
	v25 =	vor.u32 $0x181, v0;
	s25 =	sadd.s32 $0x610, s6;
	[dreg:$0x4] =	wrdreg s7  }
0x13: {  	s18 =	simm.s32 $0x400;
	v26 =	vor.u32 $0x1A0, v0;
	v27 =	vor.u32 $0x1A1, v0;
	v28 =	vor.u32 $0x1C0, v0;
	s26 =	sadd.s32 $0x620, s6;
	[dreg:$0x5] =	wrdreg s25  }
0x14: {  	s19 =	simm.s32 $0x480;
	v29 =	vor.u32 $0x1C1, v0;
	v30 =	vor.u32 $0x1E0, v0;
	v31 =	vor.u32 $0x1E1, v0;
	s8 =	sadd.s32 $0x630, s6;
	[dreg:$0x6] =	wrdreg s26  }
0x15: {  	s14 =	sshrl.u32 s0, $0x1;
	v32 =	vor.u32 $0x200, v0;
	v33 =	vor.u32 $0x201, v0;
	v34 =	vor.u32 $0x220, v0;
	s9 =	sadd.s32 $0x640, s6;
	[dreg:$0x7] =	wrdreg s8  }
0x16: {  	v35 =	vor.u32 $0x221, v0;
	v36 =	vor.u32 $0x240, v0;
	v37 =	vor.u32 $0x241, v0;
	s0 =	ssub.s32 s0, s14;
	s10 =	sadd.s32 $0x650, s6;
	[dreg:$0x8] =	wrdreg s9  }
0x17: {  	v38 =	vor.u32 $0x260, v0;
	v39 =	vor.u32 $0x261, v0;
	v40 =	vor.u32 $0x280, v0;
	s14 =	simm.s32 $0x280;
	s11 =	sadd.s32 $0x660, s6;
	[dreg:$0x9] =	wrdreg s10  }
0x18: {  	v41 =	vor.u32 $0x281, v0;
	v42 =	vor.u32 $0x2A0, v0;
	v43 =	vor.u32 $0x2A1, v0;
	s5 =	simm.s32 $0x80;
	s12 =	sadd.s32 $0x670, s6;
	[dreg:$0xa] =	wrdreg s11  }
0x19: {  	v44 =	vor.u32 $0x2C0, v0;
	v45 =	vor.u32 $0x2C1, v0;
	v46 =	vor.u32 $0x2E0, v0;
	s13 =	sadd.s32 $0x680, s6;
	s6 =	sadd.s32 $0x690, s6;
	[dreg:$0xb] =	wrdreg s12  }
0x1a: {  	v47 =	vor.u32 $0x2E1, v0;
	v48 =	vor.u32 $0x300, v0;
	v49 =	vor.u32 $0x301, v0;
	s15 =	sadd.s32 $0x1A00, s4;
	s4 =	smax.u32 s0, $0x1;
	[dreg:$0xc] =	wrdreg s13  }
0x1b: {  	v50 =	vor.u32 $0x320, v0;
	v51 =	vor.u32 $0x321, v0;
	v52 =	vor.u32 $0x340, v0;
	s1 =	simm.s32 $0x11;
	s0 =	simm.s32 $0x12;
	[dreg:$0xd] =	wrdreg s6  }
0x1c: {  	v53 =	vor.u32 $0x341, v0;
	v54 =	vor.u32 $0x360, v0;
	v55 =	vor.u32 $0x361, v0;
	[dreg:$0xf] =	wrdreg s15;
	s15 =	simm.s32 $0x800;
	s25 =	simm.s32 $0xD00  }
0x1d: {  	v56 =	vor.u32 $0x380, v0;
	v57 =	vor.u32 $0x381, v0;
	v58 =	vor.u32 $0x3A0, v0;
	s26 =	simm.s32 $0xF80;
	s6 =	simm.s32 $0x13;
	s7 =	simm.s32 $0x14  }
0x1e: {  	v59 =	vor.u32 $0x3A1, v0;
	v60 =	vor.u32 $0x3C0, v0;
	[tilespmem:$0x1FFE0] =	vst v1;
	v1 =	vor.u32 $0x20, v0;
	s8 =	simm.s32 $0x15;
	s13 =	simm.s32 $0x200;
	[dreg:$0x19] =	wrdreg s25  }
0x1f: {  	v61 =	vor.u32 $0x3C1, v0;
	v62 =	vor.u32 $0x3E0, v0;
	v63 =	vor.u32 $0x3E1, v0;
	[tilespmem:$0x1FFF0] =	vst v1;
	[dreg:$0x1a] =	wrdreg s26;
	s25 =	simm.s32 $0xB;
	s26 =	simm.s32 $0xC  }
.LBB2_1:
0x20: {  	s9 =	rddreg [dreg:$0x4]  }
0x21: {  	[tilespmem:s3], [sflag:$0x1] =	stream.linear.gather [hbm4b:s9+s3], $0x80, $0x38;
	[tilespmem:$0x1200] =	vst v63  }
0x22: {  	s10 =	rddreg [dreg:$0x5]  }
0x23: {  	[tilespmem:s5], [sflag:$0x2] =	stream.linear.gather [hbm4b:s10+s3], $0x80, $0x38;
	[tilespmem:$0x1200] =	vst v63  }
0x24: {  	s12 =	rddreg [dreg:$0x6];
	s11 =	simm.s32 $0x100  }
0x25: {  	[tilespmem:s11], [sflag:$0x3] =	stream.linear.gather [hbm4b:s12+s3], $0x80, $0x38;
	[tilespmem:$0x1200] =	vst v63  }
0x26: {  	s10 =	rddreg [dreg:$0x7];
	s12 =	simm.s32 $0x180  }
0x27: {  	[tilespmem:s12], [sflag:$0x4] =	stream.linear.gather [hbm4b:s10+s3], $0x80, $0x38;
	[tilespmem:$0x1200] =	vst v63  }
0x28: {  	s9 =	rddreg [dreg:$0x8]  }
0x29: {  	[tilespmem:s13], [sflag:$0x5] =	stream.linear.gather [hbm4b:s9+s3], $0x80, $0x38;
	[tilespmem:$0x1200] =	vst v63  }
0x2a: {  	s10 =	rddreg [dreg:$0x9]  }
0x2b: {  	[tilespmem:s14], [sflag:$0x6] =	stream.linear.gather [hbm4b:s10+s3], $0x80, $0x38;
	[tilespmem:$0x1200] =	vst v63  }
0x2c: {  	s9 =	rddreg [dreg:$0xa]  }
0x2d: {  	[tilespmem:s16], [sflag:$0x7] =	stream.linear.gather [hbm4b:s9+s3], $0x80, $0x38;
	[tilespmem:$0x1200] =	vst v63  }
0x2e: {  	s10 =	rddreg [dreg:$0xb]  }
0x2f: {  	[tilespmem:s17], [sflag:$0x8] =	stream.linear.gather [hbm4b:s10+s3], $0x80, $0x38;
	[tilespmem:$0x1200] =	vst v63  }
0x30: {  	s9 =	rddreg [dreg:$0xc]  }
0x31: {  	[tilespmem:s18], [sflag:$0x9] =	stream.linear.gather [hbm4b:s9+s3], $0x80, $0x38;
	[tilespmem:$0x1200] =	vst v63  }
0x32: {  	s10 =	rddreg [dreg:$0xd]  }
0x33: {  	[tilespmem:s19], [sflag:$0xA] =	stream.linear.gather [hbm4b:s10+s3], $0x80, $0x38;
	[tilespmem:$0x1200] =	vst v63  }
0x34: {  	s10 =	simm.s32 $0x1  }
0x35: {  	_ =	swait.ge [sflag:s10], $0x80  }
0x36: {  	[sflag:s10] =	ssyncset.done $0x0  }
0x37: {  	[sflag:s10] =	ssyncadd.s32 $0xFFFFFF80;
	s10 =	simm.s32 $0x2  }
0x38: {  	[tilespmem:s15], [sflag:$0xB] =	stream.indirect.gather [hbm4b:s2+s5], $0x1, s3, s5, $0xb8;
	[tilespmem:$0x1200] =	vst v63  }
0x39: {  	_ =	swait.ge [sflag:s10], $0x80  }
0x3a: {  	[sflag:s10] =	ssyncset.done $0x0  }
0x3b: {  	s9 =	rddreg [dreg:$0x10];
	[sflag:s10] =	ssyncadd.s32 $0xFFFFFF80;
	s10 =	simm.s32 $0x3  }
0x3c: {  	[tilespmem:s9], [sflag:$0xC] =	stream.indirect.gather [hbm4b:s2+s5], $0x1, s5, s5, $0xb8;
	[tilespmem:$0x1200] =	vst v63  }
0x3d: {  	_ =	swait.ge [sflag:s10], $0x80  }
0x3e: {  	[sflag:s10] =	ssyncset.done $0x0  }
0x3f: {  	s9 =	rddreg [dreg:$0x11];
	[sflag:s10] =	ssyncadd.s32 $0xFFFFFF80  }
0x40: {  	[tilespmem:s9], [sflag:$0xD] =	stream.indirect.gather [hbm4b:s2+s5], $0x1, s11, s5, $0xb8;
	[tilespmem:$0x1200] =	vst v63  }
0x41: {  	s9 =	simm.s32 $0x4  }
0x42: {  	_ =	swait.ge [sflag:s9], $0x80  }
0x43: {  	[sflag:s9] =	ssyncset.done $0x0  }
0x44: {  	s11 =	rddreg [dreg:$0x12];
	[sflag:s9] =	ssyncadd.s32 $0xFFFFFF80  }
0x45: {  	[tilespmem:s11], [sflag:$0xE] =	stream.indirect.gather [hbm4b:s2+s5], $0x1, s12, s5, $0xb8;
	[tilespmem:$0x1200] =	vst v63  }
0x46: {  	s11 =	simm.s32 $0x5  }
0x47: {  	_ =	swait.ge [sflag:s11], $0x80  }
0x48: {  	[sflag:s11] =	ssyncset.done $0x0  }
0x49: {  	s12 =	rddreg [dreg:$0x13];
	[sflag:s11] =	ssyncadd.s32 $0xFFFFFF80  }
0x4a: {  	[tilespmem:s12], [sflag:$0xF] =	stream.indirect.gather [hbm4b:s2+s5], $0x1, s13, s5, $0xb8;
	[tilespmem:$0x1200] =	vst v63  }
0x4b: {  	_ =	swait.ge [sflag:s20], $0x80  }
0x4c: {  	[sflag:s20] =	ssyncset.done $0x0  }
0x4d: {  	s11 =	rddreg [dreg:$0x14];
	[sflag:s20] =	ssyncadd.s32 $0xFFFFFF80  }
0x4e: {  	[tilespmem:s11], [sflag:$0x10] =	stream.indirect.gather [hbm4b:s2+s5], $0x1, s14, s5, $0xb8;
	[tilespmem:$0x1200] =	vst v63  }
0x4f: {  	_ =	swait.ge [sflag:s21], $0x80  }
0x50: {  	[sflag:s21] =	ssyncset.done $0x0  }
0x51: {  	s12 =	rddreg [dreg:$0x15];
	[sflag:s21] =	ssyncadd.s32 $0xFFFFFF80  }
0x52: {  	[tilespmem:s12], [sflag:$0x11] =	stream.indirect.gather [hbm4b:s2+s5], $0x1, s16, s5, $0xb8;
	[tilespmem:$0x1200] =	vst v63  }
0x53: {  	_ =	swait.ge [sflag:s22], $0x80  }
0x54: {  	[sflag:s22] =	ssyncset.done $0x0  }
0x55: {  	s10 =	rddreg [dreg:$0x16];
	[sflag:s22] =	ssyncadd.s32 $0xFFFFFF80  }
0x56: {  	[tilespmem:s10], [sflag:$0x12] =	stream.indirect.gather [hbm4b:s2+s5], $0x1, s17, s5, $0xb8;
	[tilespmem:$0x1200] =	vst v63  }
0x57: {  	_ =	swait.ge [sflag:s23], $0x80  }
0x58: {  	[sflag:s23] =	ssyncset.done $0x0  }
0x59: {  	s11 =	rddreg [dreg:$0x17];
	[sflag:s23] =	ssyncadd.s32 $0xFFFFFF80  }
0x5a: {  	[tilespmem:s11], [sflag:$0x13] =	stream.indirect.gather [hbm4b:s2+s5], $0x1, s18, s5, $0xb8;
	[tilespmem:$0x1200] =	vst v63  }
0x5b: {  	_ =	swait.ge [sflag:s24], $0x80  }
0x5c: {  	[sflag:s24] =	ssyncset.done $0x0  }
0x5d: {  	s12 =	rddreg [dreg:$0x18];
	[sflag:s24] =	ssyncadd.s32 $0xFFFFFF80  }
0x5e: {  	[tilespmem:s12], [sflag:$0x14] =	stream.indirect.gather [hbm4b:s2+s5], $0x1, s19, s5, $0xb8;
	[tilespmem:$0x1200] =	vst v63  }
0x5f: {  	_ =	swait.ge [sflag:s25], $0x80  }
0x60: {  	[sflag:s25] =	ssyncset.done $0x0  }
0x61: {  	[sflag:s25] =	ssyncadd.s32 $0xFFFFFF80  }
0x62: {  	v1 =	vld.idx.msk [tilespmem:v0+s15+$0x0], $0xffff;
	_ =	sdelay $0x4  }
0x63: {  	[tilespmem:$0xD00] =	vst v1;
	v1 =	vld [tilespmem:$0x1FFE0];
	_ =	sdelay $0x7  }
0x64: {  	v1 =	vld.idx.msk [tilespmem:v1+s15+$0x0], $0xffff;
	_ =	sdelay $0x4  }
0x65: {  	[tilespmem:$0xF80] =	vst v1;
	v1 =	vld [tilespmem:$0x1FFF0];
	_ =	sdelay $0x7  }
0x66: {  	v1 =	vld.idx.msk [tilespmem:v1+s15+$0x0], $0xffff;
	_ =	sdelay $0x4  }
0x67: {  	[tilespmem:$0xD10] =	vst v1  }
0x68: {  	v1 =	vld.idx.msk [tilespmem:v3+s15+$0x0], $0xffff;
	_ =	sdelay $0x4  }
0x69: {  	[tilespmem:$0xF90] =	vst v1  }
0x6a: {  	v1 =	vld.idx.msk [tilespmem:v4+s15+$0x0], $0xffff;
	_ =	sdelay $0x4  }
0x6b: {  	[tilespmem:$0xD20] =	vst v1  }
0x6c: {  	v1 =	vld.idx.msk [tilespmem:v5+s15+$0x0], $0xffff;
	_ =	sdelay $0x4  }
0x6d: {  	[tilespmem:$0xFA0] =	vst v1  }
0x6e: {  	v1 =	vld.idx.msk [tilespmem:v6+s15+$0x0], $0xffff;
	_ =	sdelay $0x4  }
0x6f: {  	[tilespmem:$0xD30] =	vst v1  }
0x70: {  	v1 =	vld.idx.msk [tilespmem:v7+s15+$0x0], $0xffff;
	_ =	sdelay $0x4  }
0x71: {  	[tilespmem:$0xFB0] =	vst v1  }
0x72: {  	_ =	swait.ge [sflag:s26], $0x80  }
0x73: {  	[sflag:s26] =	ssyncset.done $0x0  }
0x74: {  	[sflag:s26] =	ssyncadd.s32 $0xFFFFFF80  }
0x75: {  	v1 =	vld.idx.msk [tilespmem:v8+s15+$0x0], $0xffff;
	_ =	sdelay $0x4  }
0x76: {  	[tilespmem:$0xD40] =	vst v1  }
0x77: {  	v1 =	vld.idx.msk [tilespmem:v9+s15+$0x0], $0xffff;
	_ =	sdelay $0x4  }
0x78: {  	[tilespmem:$0xFC0] =	vst v1  }
0x79: {  	v1 =	vld.idx.msk [tilespmem:v10+s15+$0x0], $0xffff;
	_ =	sdelay $0x4  }
0x7a: {  	[tilespmem:$0xD50] =	vst v1  }
0x7b: {  	v1 =	vld.idx.msk [tilespmem:v11+s15+$0x0], $0xffff;
	_ =	sdelay $0x4  }
0x7c: {  	[tilespmem:$0xFD0] =	vst v1  }
0x7d: {  	v1 =	vld.idx.msk [tilespmem:v12+s15+$0x0], $0xffff;
	_ =	sdelay $0x4  }
0x7e: {  	[tilespmem:$0xD60] =	vst v1  }
0x7f: {  	v1 =	vld.idx.msk [tilespmem:v13+s15+$0x0], $0xffff;
	_ =	sdelay $0x4  }
0x80: {  	[tilespmem:$0xFE0] =	vst v1  }
0x81: {  	v1 =	vld.idx.msk [tilespmem:v14+s15+$0x0], $0xffff;
	_ =	sdelay $0x4  }
0x82: {  	[tilespmem:$0xD70] =	vst v1  }
0x83: {  	v1 =	vld.idx.msk [tilespmem:v15+s15+$0x0], $0xffff;
	_ =	sdelay $0x4  }
0x84: {  	[tilespmem:$0xFF0] =	vst v1  }
0x85: {  	_ =	swait.ge [sflag:s28], $0x80  }
0x86: {  	[sflag:s28] =	ssyncset.done $0x0  }
0x87: {  	[sflag:s28] =	ssyncadd.s32 $0xFFFFFF80  }
0x88: {  	v1 =	vld.idx.msk [tilespmem:v16+s15+$0x0], $0xffff;
	_ =	sdelay $0x4  }
0x89: {  	[tilespmem:$0xD80] =	vst v1  }
0x8a: {  	v1 =	vld.idx.msk [tilespmem:v17+s15+$0x0], $0xffff;
	_ =	sdelay $0x4  }
0x8b: {  	[tilespmem:$0x1000] =	vst v1  }
0x8c: {  	v1 =	vld.idx.msk [tilespmem:v18+s15+$0x0], $0xffff;
	_ =	sdelay $0x4  }
0x8d: {  	[tilespmem:$0xD90] =	vst v1  }
0x8e: {  	v1 =	vld.idx.msk [tilespmem:v19+s15+$0x0], $0xffff;
	_ =	sdelay $0x4  }
0x8f: {  	[tilespmem:$0x1010] =	vst v1  }
0x90: {  	v1 =	vld.idx.msk [tilespmem:v20+s15+$0x0], $0xffff;
	_ =	sdelay $0x4  }
0x91: {  	[tilespmem:$0xDA0] =	vst v1  }
0x92: {  	v1 =	vld.idx.msk [tilespmem:v21+s15+$0x0], $0xffff;
	_ =	sdelay $0x4  }
0x93: {  	[tilespmem:$0x1020] =	vst v1  }
0x94: {  	v1 =	vld.idx.msk [tilespmem:v22+s15+$0x0], $0xffff;
	_ =	sdelay $0x4  }
0x95: {  	[tilespmem:$0xDB0] =	vst v1  }
0x96: {  	v1 =	vld.idx.msk [tilespmem:v23+s15+$0x0], $0xffff;
	_ =	sdelay $0x4  }
0x97: {  	[tilespmem:$0x1030] =	vst v1  }
0x98: {  	_ =	swait.ge [sflag:s29], $0x80  }
0x99: {  	[sflag:s29] =	ssyncset.done $0x0  }
0x9a: {  	[sflag:s29] =	ssyncadd.s32 $0xFFFFFF80  }
0x9b: {  	v1 =	vld.idx.msk [tilespmem:v24+s15+$0x0], $0xffff;
	_ =	sdelay $0x4  }
0x9c: {  	[tilespmem:$0xDC0] =	vst v1  }
0x9d: {  	v1 =	vld.idx.msk [tilespmem:v25+s15+$0x0], $0xffff;
	_ =	sdelay $0x4  }
0x9e: {  	[tilespmem:$0x1040] =	vst v1  }
0x9f: {  	v1 =	vld.idx.msk [tilespmem:v26+s15+$0x0], $0xffff;
	_ =	sdelay $0x4  }
0xa0: {  	[tilespmem:$0xDD0] =	vst v1  }
0xa1: {  	v1 =	vld.idx.msk [tilespmem:v27+s15+$0x0], $0xffff;
	_ =	sdelay $0x4  }
0xa2: {  	[tilespmem:$0x1050] =	vst v1  }
0xa3: {  	v1 =	vld.idx.msk [tilespmem:v28+s15+$0x0], $0xffff;
	_ =	sdelay $0x4  }
0xa4: {  	[tilespmem:$0xDE0] =	vst v1  }
0xa5: {  	v1 =	vld.idx.msk [tilespmem:v29+s15+$0x0], $0xffff;
	_ =	sdelay $0x4  }
0xa6: {  	[tilespmem:$0x1060] =	vst v1  }
0xa7: {  	v1 =	vld.idx.msk [tilespmem:v30+s15+$0x0], $0xffff;
	_ =	sdelay $0x4  }
0xa8: {  	[tilespmem:$0xDF0] =	vst v1  }
0xa9: {  	v1 =	vld.idx.msk [tilespmem:v31+s15+$0x0], $0xffff;
	_ =	sdelay $0x4  }
0xaa: {  	[tilespmem:$0x1070] =	vst v1  }
0xab: {  	_ =	swait.ge [sflag:s30], $0x80  }
0xac: {  	[sflag:s30] =	ssyncset.done $0x0  }
0xad: {  	[sflag:s30] =	ssyncadd.s32 $0xFFFFFF80  }
0xae: {  	v1 =	vld.idx.msk [tilespmem:v32+s15+$0x0], $0xffff;
	_ =	sdelay $0x4  }
0xaf: {  	[tilespmem:$0xE00] =	vst v1  }
0xb0: {  	v1 =	vld.idx.msk [tilespmem:v33+s15+$0x0], $0xffff;
	_ =	sdelay $0x4  }
0xb1: {  	[tilespmem:$0x1080] =	vst v1  }
0xb2: {  	v1 =	vld.idx.msk [tilespmem:v34+s15+$0x0], $0xffff;
	_ =	sdelay $0x4  }
0xb3: {  	[tilespmem:$0xE10] =	vst v1  }
0xb4: {  	v1 =	vld.idx.msk [tilespmem:v35+s15+$0x0], $0xffff;
	_ =	sdelay $0x4  }
0xb5: {  	[tilespmem:$0x1090] =	vst v1  }
0xb6: {  	v1 =	vld.idx.msk [tilespmem:v36+s15+$0x0], $0xffff;
	_ =	sdelay $0x4  }
0xb7: {  	[tilespmem:$0xE20] =	vst v1  }
0xb8: {  	v1 =	vld.idx.msk [tilespmem:v37+s15+$0x0], $0xffff;
	_ =	sdelay $0x4  }
0xb9: {  	[tilespmem:$0x10A0] =	vst v1  }
0xba: {  	v1 =	vld.idx.msk [tilespmem:v38+s15+$0x0], $0xffff;
	_ =	sdelay $0x4  }
0xbb: {  	[tilespmem:$0xE30] =	vst v1  }
0xbc: {  	v1 =	vld.idx.msk [tilespmem:v39+s15+$0x0], $0xffff;
	_ =	sdelay $0x4  }
0xbd: {  	[tilespmem:$0x10B0] =	vst v1  }
0xbe: {  	_ =	swait.ge [sflag:s31], $0x80  }
0xbf: {  	[sflag:s31] =	ssyncset.done $0x0  }
0xc0: {  	[sflag:s31] =	ssyncadd.s32 $0xFFFFFF80  }
0xc1: {  	v1 =	vld.idx.msk [tilespmem:v40+s15+$0x0], $0xffff;
	_ =	sdelay $0x4  }
0xc2: {  	[tilespmem:$0xE40] =	vst v1  }
0xc3: {  	v1 =	vld.idx.msk [tilespmem:v41+s15+$0x0], $0xffff;
	_ =	sdelay $0x4  }
0xc4: {  	[tilespmem:$0x10C0] =	vst v1  }
0xc5: {  	v1 =	vld.idx.msk [tilespmem:v42+s15+$0x0], $0xffff;
	_ =	sdelay $0x4  }
0xc6: {  	[tilespmem:$0xE50] =	vst v1  }
0xc7: {  	v1 =	vld.idx.msk [tilespmem:v43+s15+$0x0], $0xffff;
	_ =	sdelay $0x4  }
0xc8: {  	[tilespmem:$0x10D0] =	vst v1  }
0xc9: {  	v1 =	vld.idx.msk [tilespmem:v44+s15+$0x0], $0xffff;
	_ =	sdelay $0x4  }
0xca: {  	[tilespmem:$0xE60] =	vst v1  }
0xcb: {  	v1 =	vld.idx.msk [tilespmem:v45+s15+$0x0], $0xffff;
	_ =	sdelay $0x4  }
0xcc: {  	[tilespmem:$0x10E0] =	vst v1  }
0xcd: {  	v1 =	vld.idx.msk [tilespmem:v46+s15+$0x0], $0xffff;
	_ =	sdelay $0x4  }
0xce: {  	[tilespmem:$0xE70] =	vst v1  }
0xcf: {  	v1 =	vld.idx.msk [tilespmem:v47+s15+$0x0], $0xffff;
	_ =	sdelay $0x4  }
0xd0: {  	[tilespmem:$0x10F0] =	vst v1  }
0xd1: {  	_ =	swait.ge [sflag:s1], $0x80  }
0xd2: {  	[sflag:s1] =	ssyncset.done $0x0  }
0xd3: {  	[sflag:s1] =	ssyncadd.s32 $0xFFFFFF80  }
0xd4: {  	v1 =	vld.idx.msk [tilespmem:v48+s15+$0x0], $0xffff;
	_ =	sdelay $0x4  }
0xd5: {  	[tilespmem:$0xE80] =	vst v1  }
0xd6: {  	v1 =	vld.idx.msk [tilespmem:v49+s15+$0x0], $0xffff;
	_ =	sdelay $0x4  }
0xd7: {  	[tilespmem:$0x1100] =	vst v1  }
0xd8: {  	v1 =	vld.idx.msk [tilespmem:v50+s15+$0x0], $0xffff;
	_ =	sdelay $0x4  }
0xd9: {  	[tilespmem:$0xE90] =	vst v1  }
0xda: {  	v1 =	vld.idx.msk [tilespmem:v51+s15+$0x0], $0xffff;
	_ =	sdelay $0x4  }
0xdb: {  	[tilespmem:$0x1110] =	vst v1  }
0xdc: {  	v1 =	vld.idx.msk [tilespmem:v52+s15+$0x0], $0xffff;
	_ =	sdelay $0x4  }
0xdd: {  	[tilespmem:$0xEA0] =	vst v1  }
0xde: {  	v1 =	vld.idx.msk [tilespmem:v53+s15+$0x0], $0xffff;
	_ =	sdelay $0x4  }
0xdf: {  	[tilespmem:$0x1120] =	vst v1  }
0xe0: {  	v1 =	vld.idx.msk [tilespmem:v54+s15+$0x0], $0xffff;
	_ =	sdelay $0x4  }
0xe1: {  	[tilespmem:$0xEB0] =	vst v1  }
0xe2: {  	v1 =	vld.idx.msk [tilespmem:v55+s15+$0x0], $0xffff;
	_ =	sdelay $0x4  }
0xe3: {  	[tilespmem:$0x1130] =	vst v1  }
0xe4: {  	_ =	swait.ge [sflag:s0], $0x80  }
0xe5: {  	[sflag:s0] =	ssyncset.done $0x0  }
0xe6: {  	[sflag:s0] =	ssyncadd.s32 $0xFFFFFF80  }
0xe7: {  	v1 =	vld.idx.msk [tilespmem:v56+s15+$0x0], $0xffff;
	_ =	sdelay $0x4  }
0xe8: {  	[tilespmem:$0xEC0] =	vst v1  }
0xe9: {  	v1 =	vld.idx.msk [tilespmem:v57+s15+$0x0], $0xffff;
	_ =	sdelay $0x4  }
0xea: {  	[tilespmem:$0x1140] =	vst v1  }
0xeb: {  	v1 =	vld.idx.msk [tilespmem:v58+s15+$0x0], $0xffff;
	_ =	sdelay $0x4  }
0xec: {  	[tilespmem:$0xED0] =	vst v1  }
0xed: {  	v1 =	vld.idx.msk [tilespmem:v59+s15+$0x0], $0xffff;
	_ =	sdelay $0x4  }
0xee: {  	[tilespmem:$0x1150] =	vst v1  }
0xef: {  	v1 =	vld.idx.msk [tilespmem:v60+s15+$0x0], $0xffff;
	_ =	sdelay $0x4  }
0xf0: {  	[tilespmem:$0xEE0] =	vst v1  }
0xf1: {  	v1 =	vld.idx.msk [tilespmem:v61+s15+$0x0], $0xffff;
	_ =	sdelay $0x4  }
0xf2: {  	[tilespmem:$0x1160] =	vst v1  }
0xf3: {  	v1 =	vld.idx.msk [tilespmem:v62+s15+$0x0], $0xffff;
	_ =	sdelay $0x4  }
0xf4: {  	[tilespmem:$0xEF0] =	vst v1  }
0xf5: {  	v1 =	vld.idx.msk [tilespmem:v63+s15+$0x0], $0xffff;
	_ =	sdelay $0x3  }
0xf6: {  	v2 =	vor.u32 $0x400, v0  }
0xf7: {  	[tilespmem:$0x1170] =	vst v1  }
0xf8: {  	_ =	swait.ge [sflag:s6], $0x80  }
0xf9: {  	[sflag:s6] =	ssyncset.done $0x0  }
0xfa: {  	[sflag:s6] =	ssyncadd.s32 $0xFFFFFF80  }
0xfb: {  	v1 =	vld.idx.msk [tilespmem:v2+s15+$0x0], $0xffff  }
0xfc: {  	v2 =	vor.u32 $0x401, v0;
	_ =	sdelay $0x3  }
0xfd: {  	[tilespmem:$0xF00] =	vst v1  }
0xfe: {  	v1 =	vld.idx.msk [tilespmem:v2+s15+$0x0], $0xffff  }
0xff: {  	v2 =	vor.u32 $0x420, v0;
	_ =	sdelay $0x3  }
0x100: {  	[tilespmem:$0x1180] =	vst v1  }
0x101: {  	v1 =	vld.idx.msk [tilespmem:v2+s15+$0x0], $0xffff  }
0x102: {  	v2 =	vor.u32 $0x421, v0;
	_ =	sdelay $0x3  }
0x103: {  	[tilespmem:$0xF10] =	vst v1  }
0x104: {  	v1 =	vld.idx.msk [tilespmem:v2+s15+$0x0], $0xffff  }
0x105: {  	v2 =	vor.u32 $0x440, v0;
	_ =	sdelay $0x3  }
0x106: {  	[tilespmem:$0x1190] =	vst v1  }
0x107: {  	v1 =	vld.idx.msk [tilespmem:v2+s15+$0x0], $0xffff  }
0x108: {  	v2 =	vor.u32 $0x441, v0;
	_ =	sdelay $0x3  }
0x109: {  	[tilespmem:$0xF20] =	vst v1  }
0x10a: {  	v1 =	vld.idx.msk [tilespmem:v2+s15+$0x0], $0xffff  }
0x10b: {  	v2 =	vor.u32 $0x460, v0;
	_ =	sdelay $0x3  }
0x10c: {  	[tilespmem:$0x11A0] =	vst v1  }
0x10d: {  	v1 =	vld.idx.msk [tilespmem:v2+s15+$0x0], $0xffff  }
0x10e: {  	v2 =	vor.u32 $0x461, v0;
	_ =	sdelay $0x3  }
0x10f: {  	[tilespmem:$0xF30] =	vst v1  }
0x110: {  	v1 =	vld.idx.msk [tilespmem:v2+s15+$0x0], $0xffff;
	_ =	sdelay $0x3  }
0x111: {  	v2 =	vor.u32 $0x480, v0  }
0x112: {  	[tilespmem:$0x11B0] =	vst v1  }
0x113: {  	_ =	swait.ge [sflag:s7], $0x80  }
0x114: {  	[sflag:s7] =	ssyncset.done $0x0  }
0x115: {  	[sflag:s7] =	ssyncadd.s32 $0xFFFFFF80  }
0x116: {  	v1 =	vld.idx.msk [tilespmem:v2+s15+$0x0], $0xffff  }
0x117: {  	v2 =	vor.u32 $0x481, v0;
	_ =	sdelay $0x3  }
0x118: {  	[tilespmem:$0xF40] =	vst v1  }
0x119: {  	v1 =	vld.idx.msk [tilespmem:v2+s15+$0x0], $0xffff  }
0x11a: {  	v2 =	vor.u32 $0x4A0, v0;
	_ =	sdelay $0x3  }
0x11b: {  	[tilespmem:$0x11C0] =	vst v1  }
0x11c: {  	v1 =	vld.idx.msk [tilespmem:v2+s15+$0x0], $0xffff  }
0x11d: {  	v2 =	vor.u32 $0x4A1, v0;
	_ =	sdelay $0x3  }
0x11e: {  	[tilespmem:$0xF50] =	vst v1  }
0x11f: {  	v1 =	vld.idx.msk [tilespmem:v2+s15+$0x0], $0xffff  }
0x120: {  	v2 =	vor.u32 $0x4C0, v0;
	_ =	sdelay $0x3  }
0x121: {  	[tilespmem:$0x11D0] =	vst v1  }
0x122: {  	v1 =	vld.idx.msk [tilespmem:v2+s15+$0x0], $0xffff  }
0x123: {  	v2 =	vor.u32 $0x4C1, v0;
	_ =	sdelay $0x3  }
0x124: {  	[tilespmem:$0xF60] =	vst v1  }
0x125: {  	v1 =	vld.idx.msk [tilespmem:v2+s15+$0x0], $0xffff  }
0x126: {  	v2 =	vor.u32 $0x4E0, v0;
	_ =	sdelay $0x3  }
0x127: {  	[tilespmem:$0x11E0] =	vst v1  }
0x128: {  	v1 =	vld.idx.msk [tilespmem:v2+s15+$0x0], $0xffff  }
0x129: {  	v2 =	vor.u32 $0x4E1, v0;
	_ =	sdelay $0x3  }
0x12a: {  	[tilespmem:$0xF70] =	vst v1  }
0x12b: {  	v1 =	vld.idx.msk [tilespmem:v2+s15+$0x0], $0xffff;
	_ =	sdelay $0x2  }
0x12c: {  	s9 =	rddreg [dreg:$0xe]  }
0x12d: {  	s10 =	rddreg [dreg:$0x19]  }
0x12e: {  	s11 =	rddreg [dreg:$0xf];
	[tilespmem:$0x11F0] =	vst v1  }
0x12f: {  	[hbm4b:s9+s3] =	stream.linear.scatter [tilespmem:s10], [sflag:$0x15], $0x280, $0x38;
	[tilespmem:$0x1200] =	vst v63  }
0x130: {  	s12 =	rddreg [dreg:$0x1a]  }
0x131: {  	[hbm4b:s11+s3] =	stream.linear.scatter [tilespmem:s12], [sflag:$0x15], $0x280, $0x38;
	[tilespmem:$0x1200] =	vst v63  }
0x132: {  	p0 =	sne.s32 s4, $0x1;
	_ =	swait.ge [sflag:s8], $0x280  }
.Ltmp0:
0x133: {  	[sflag:s8] =	ssyncset.done $0x0;
	(pc) =	sbr.rel @p0 .LBB2_1-.Ltmp0, $4  }
0x134: {  	[sflag:s8] =	ssyncadd.s32 $0xFFFFFD80  }
0x135: {  	_ =	swait.ge [sflag:s8], $0x280  }
0x136: {  	[sflag:s8] =	ssyncset.done $0x0  }
0x137: {  	s4 =	sadd.s32 $0xFFFFFFFF, s4;
	[sflag:s8] =	ssyncadd.s32 $0xFFFFFD80  }
0x138: {  	_ =	sfence.sel $0x180000  }
0x139: {  	[bflag:$0x0] =	sbarrier.arrive $0xFFFF  }
0x13a: {  	_ =	strace $0x90000047  }
0x13b: {  	s0 =	stileid.u32;
	[bflag:$0x2] =	sbarrier.arrive $0xFFFF  }
0x13c: {  	p0 =	sne.s32 s0, $0x0;
	s0 =	rddreg [dreg:$0x3]  }
0x13d: {  	s0 =	sadd.s32 @!p0 $0x100000, s0  }
0x13e: {  	[sflag:s0] =	ssyncadd.tile.s32 @!p0 $0x1;
	_ =	shalt  }
.Lfunc_end2:
_tile_overlayer_lowered:
.L_overlay_start_2:
0x13f: {  	(tag) =	ssettag $0x2  }
0x140: {  	s0 =	rddreg [dreg:$0x0];
	s2 =	stileid.u32  }
0x141: {  	s1 =	rddreg [dreg:$0x1];
	p0 =	sne.s32 s2, $0x0  }
0x142: {  	s3 =	rddreg [dreg:$0x2];
	[bflag:$0x3] =	sbarrier.arrive $0xFFFF;
	s2 =	simm.s32 @!p0 $0x1C16  }
0x143: {  	[timem:s3], [sflag:s2] =	dma.local @!p0 [hbm:s0], s1  }
0x144: {  	s0 =	simm.s32 @!p0 $0x16  }
0x145: {  	_ =	swait.ge @!p0 [sflag:s0], s1  }
0x146: {  	s1 =	ssub.s32 @!p0 $0x0, s1;
	[sflag:s0] =	ssyncset.done @!p0 $0x0  }
0x147: {  	[sflag:s0] =	ssyncadd.s32 @!p0 s1  }
0x148: {  	[bflag:$0x3] =	sbarrier.arrive $0xFFFF  }
0x149: {  	_ =	shalt  }

</sc_bundles>
